<compile_context>
chip_gen: v7x
topology: tpu7x:2x2x1
jax: 0.10.2.dev20260603
libtpu: 0.0.44.dev20260713+nightly
codegen_flags: <defaults>
</compile_context>

<pallas_src>
import functools

import jax
import jax.numpy as jnp
from jax import lax
from jax.experimental import pallas as pl
from jax.experimental.pallas import tpu as pltpu
from jax.experimental.pallas import tpu_sc as plsc

N = 10000
DF = 128
H = 64
E = 320000
LH = 32
NC = 40

FW = 128
NPAD = 10240
RPT = NPAD // 16
CH = 64

MP_TILES = 32
MP_CHUNKS = -(-E // (MP_TILES * CH))
MP_CHUNKS += MP_CHUNKS % 2
E_MP = MP_TILES * MP_CHUNKS * CH

DEG_TILES = 16
DEG_CHUNKS = -(-E // (DEG_TILES * CH))
E_DEG = DEG_TILES * DEG_CHUNKS * CH

def _deg_body(idx_hbm, out_hbm, hist, idx_v, zbuf, ones_v):
    c = lax.axis_index("c")
    s = lax.axis_index("s")
    w = c * 16 + s
    for i in range(CH // 16):
        ones_v[pl.ds(i * 16, 16)] = jnp.ones((16,), jnp.float32)

    def zfill(i, _):
        zbuf[pl.ds(i * 16, 16)] = jnp.zeros((16,), jnp.float32)
        return 0

    lax.fori_loop(0, RPT // 16, zfill, 0)
    pltpu.sync_copy(zbuf, hist.at[pl.ds(s * RPT, RPT)])
    pltpu.sync_copy(idx_hbm.at[w], idx_v)
    plsc.subcore_barrier()

    def body(j, _):
        pltpu.sync_copy(ones_v, hist.at[idx_v.at[j]], add=True)
        return 0

    lax.fori_loop(0, DEG_CHUNKS, body, 0)
    plsc.subcore_barrier()
    pltpu.sync_copy(hist.at[pl.ds(s * RPT, RPT)],
                    out_hbm.at[pl.ds(c * NPAD + s * RPT, RPT)])


def _mp_body(y_hbm, zeros_hbm, src_hbm, dst_hbm, out_hbm,
             agg, src_v, dst_v, rows):
    c = lax.axis_index("c")
    s = lax.axis_index("s")
    w = c * 16 + s
    sl = pl.ds(s * RPT, RPT)
    pltpu.sync_copy(zeros_hbm.at[sl], agg.at[sl])
    pltpu.sync_copy(src_hbm.at[w], src_v)
    pltpu.sync_copy(dst_hbm.at[w], dst_v)
    plsc.subcore_barrier()

    def body(j, _):
        pltpu.sync_copy(y_hbm.at[src_v.at[j]], rows)
        pltpu.sync_copy(rows, agg.at[dst_v.at[j]], add=True)
        return 0

    lax.fori_loop(0, MP_CHUNKS, body, 0)
    plsc.subcore_barrier()
    pltpu.sync_copy(agg.at[sl], out_hbm.at[pl.ds(c * NPAD + s * RPT, RPT)])


@functools.cache
def _sc_kernels():
    mesh = plsc.VectorSubcoreMesh(core_axis_name="c", subcore_axis_name="s")
    deg_k = pl.kernel(
        _deg_body,
        mesh=mesh,
        out_type=jax.ShapeDtypeStruct((2 * NPAD,), jnp.float32),
        scratch_types=[
            pltpu.VMEM_SHARED((NPAD,), jnp.float32),
            pltpu.VMEM((DEG_CHUNKS, CH), jnp.int32),
            pltpu.VMEM((RPT,), jnp.float32),
            pltpu.VMEM((CH,), jnp.float32),
        ],
    )
    mp_k = pl.kernel(
        _mp_body,
        mesh=mesh,
        out_type=jax.ShapeDtypeStruct((2 * NPAD, FW), jnp.float32),
        scratch_types=[
            pltpu.VMEM_SHARED((NPAD, FW), jnp.float32),
            pltpu.VMEM((MP_CHUNKS, CH), jnp.int32),
            pltpu.VMEM((MP_CHUNKS, CH), jnp.int32),
            pltpu.VMEM((CH, FW), jnp.float32),
        ],
    )
    return deg_k, mp_k


def _norm(d):
    return lax.rsqrt(jnp.maximum(d, 1.0))


def _tc1_body(x_ref, w_ref, ds_ref, o_ref):
    o_ref[...] = jnp.dot(x_ref[...], w_ref[...],
                         preferred_element_type=jnp.float32) * _norm(ds_ref[...])


def _tc2_body(p_ref, dd_ref, ds_ref, b1_ref, w2_ref, o_ref):
    agg = (p_ref[0] + p_ref[1])[:, :H]
    h1 = jax.nn.relu(agg * _norm(dd_ref[...]) + b1_ref[...])
    o_ref[...] = jnp.dot(h1, w2_ref[...],
                         preferred_element_type=jnp.float32) * _norm(ds_ref[...])


def _tc3_body(p_ref, dd_ref, b2_ref, wih_ref, bsum_ref, whh_ref,
              wfc_ref, bfc_ref, o_ref, g_s, hs_s):
    agg = (p_ref[0] + p_ref[1])[:, :H]
    h2 = jax.nn.relu(agg * _norm(dd_ref[...]) + b2_ref[...])
    g_s[...] = jnp.dot(h2, wih_ref[...],
                       preferred_element_type=jnp.float32) + bsum_ref[...]

    whh16 = whh_ref[...].astype(jnp.bfloat16)

    def step(t, carry):
        h16, cst = carry
        z = g_s[pl.ds(t, 1), :] + jnp.dot(
            h16, whh16, preferred_element_type=jnp.float32)
        i_ = 0.5 + 0.5 * jnp.tanh(0.5 * z[:, 0:LH])
        f_ = 0.5 + 0.5 * jnp.tanh(0.5 * z[:, 128:128 + LH])
        g_ = jnp.tanh(z[:, 256:256 + LH])
        o_ = 0.5 + 0.5 * jnp.tanh(0.5 * z[:, 384:384 + LH])
        cn = f_ * cst + i_ * g_
        hn = o_ * jnp.tanh(cn)
        hs_s[pl.ds(t, 1), :] = hn
        return (hn.astype(jnp.bfloat16), cn)

    lax.fori_loop(0, N, step, (jnp.zeros((1, LH), jnp.bfloat16),
                               jnp.zeros((1, LH), jnp.float32)))
    o_ref[...] = jnp.dot(hs_s[0:N, :], wfc_ref[...],
                         preferred_element_type=jnp.float32) + bfc_ref[...]


def _pad_idx(idx, total):
    pad = total - E
    padv = (N + (jnp.arange(pad, dtype=jnp.int32) % 64)).astype(jnp.int32)
    return jnp.concatenate([idx, padv])


def kernel(x, edge_index, W1, b1, W2, b2, W_ih, W_hh, b_ih, b_hh, W_fc, b_fc):
    src = edge_index[0].astype(jnp.int32)
    dst = edge_index[1].astype(jnp.int32)

    src_mp = _pad_idx(src, E_MP).reshape(MP_TILES, MP_CHUNKS, CH)
    dst_mp = _pad_idx(dst, E_MP).reshape(MP_TILES, MP_CHUNKS, CH)
    idx_deg = jnp.stack(
        [_pad_idx(src, E_DEG), _pad_idx(dst, E_DEG)]
    ).reshape(2 * DEG_TILES, DEG_CHUNKS, CH)

    _deg_kernel, _mp_kernel = _sc_kernels()
    deg = _deg_kernel(idx_deg).reshape(2, NPAD)
    deg_s = deg[0][:, None]
    deg_d = deg[1][:, None]

    xp = jnp.pad(x, ((0, NPAD - N), (0, 0)))
    zeros_feat = jnp.zeros((NPAD, FW), jnp.float32)
    W1p = jnp.pad(W1, ((0, 0), (0, FW - H)))
    W2p = jnp.pad(W2, ((0, 0), (0, FW - H)))

    y1 = pl.pallas_call(
        _tc1_body,
        grid=(8,),
        in_specs=[
            pl.BlockSpec((NPAD // 8, DF), lambda i: (i, 0)),
            pl.BlockSpec((DF, FW), lambda i: (0, 0)),
            pl.BlockSpec((NPAD // 8, 1), lambda i: (i, 0)),
        ],
        out_specs=pl.BlockSpec((NPAD // 8, FW), lambda i: (i, 0)),
        out_shape=jax.ShapeDtypeStruct((NPAD, FW), jnp.float32),
    )(xp, W1p, deg_s)

    p1 = _mp_kernel(y1, zeros_feat, src_mp, dst_mp).reshape(2, NPAD, FW)

    y2 = pl.pallas_call(
        _tc2_body,
        grid=(8,),
        in_specs=[
            pl.BlockSpec((2, NPAD // 8, FW), lambda i: (0, i, 0)),
            pl.BlockSpec((NPAD // 8, 1), lambda i: (i, 0)),
            pl.BlockSpec((NPAD // 8, 1), lambda i: (i, 0)),
            pl.BlockSpec((1, H), lambda i: (0, 0)),
            pl.BlockSpec((H, FW), lambda i: (0, 0)),
        ],
        out_specs=pl.BlockSpec((NPAD // 8, FW), lambda i: (i, 0)),
        out_shape=jax.ShapeDtypeStruct((NPAD, FW), jnp.float32),
    )(p1, deg_d, deg_s, b1[None, :], W2p)

    p2 = _mp_kernel(y2, zeros_feat, src_mp, dst_mp).reshape(2, NPAD, FW)

    def spread(w):
        blocks = [
            jnp.pad(w[:, k * LH:(k + 1) * LH], ((0, 0), (0, 128 - LH)))
            for k in range(4)
        ]
        return jnp.concatenate(blocks, axis=1)

    wih4 = spread(W_ih.T)
    bsum4 = spread((b_ih + b_hh)[None, :])
    whh4 = spread(W_hh.T)

    out = pl.pallas_call(
        _tc3_body,
        grid=(1,),
        in_specs=[
            pl.BlockSpec((2, NPAD, FW), lambda i: (0, 0, 0)),
            pl.BlockSpec((NPAD, 1), lambda i: (0, 0)),
            pl.BlockSpec((1, H), lambda i: (0, 0)),
            pl.BlockSpec((H, 512), lambda i: (0, 0)),
            pl.BlockSpec((1, 512), lambda i: (0, 0)),
            pl.BlockSpec((LH, 512), lambda i: (0, 0)),
            pl.BlockSpec((LH, NC), lambda i: (0, 0)),
            pl.BlockSpec((1, NC), lambda i: (0, 0)),
        ],
        out_specs=pl.BlockSpec((N, NC), lambda i: (0, 0)),
        out_shape=jax.ShapeDtypeStruct((N, NC), jnp.float32),
        scratch_shapes=[
            pltpu.VMEM((NPAD, 512), jnp.float32),
            pltpu.VMEM((NPAD, LH), jnp.float32),
        ],
    )(p2, deg_d, b2[None, :], wih4, bsum4, whh4,
      W_fc.T, b_fc[None, :])
    return out

# --- scband reference (transcript-rebuilt; emitter-appended) ---
"""Pipeline reference for scband-grnn-5720896438852 (READ-ONLY COPY).

The authoritative reference and input builder live on the scoring server;
editing this copy changes nothing except your own understanding.
"""

import jax, jax.numpy as jnp
import numpy as np

N_NODES = 10000
D_FEAT = 128
N_EDGES = 320000
H1 = 64
H2 = 64
LSTM_H = 32
N_CLASSES = 40


def _graph_conv(x, src, dst, W, b, n_nodes):
    # DGL GraphConv with norm='both': D_dst^{-1/2} A D_src^{-1/2} X W + b
    out_deg = jnp.zeros((n_nodes,), jnp.float32).at[src].add(1.0)
    in_deg = jnp.zeros((n_nodes,), jnp.float32).at[dst].add(1.0)
    norm_src = jax.lax.rsqrt(jnp.clip(out_deg, 1.0))
    norm_dst = jax.lax.rsqrt(jnp.clip(in_deg, 1.0))
    h = x * norm_src[:, None]
    msg = jnp.take(h, src, axis=0)
    agg = jnp.zeros((n_nodes, x.shape[1]), x.dtype).at[dst].add(msg)
    agg = agg * norm_dst[:, None]
    return agg @ W + b


def _lstm(xs, W_ih, W_hh, b_ih, b_hh):
    # PyTorch LSTM, batch=1, seq_len=N. Gate order: i, f, g, o
    H = W_hh.shape[1]

    def step(carry, x_t):
        h, c = carry
        gates = x_t @ W_ih.T + b_ih + h @ W_hh.T + b_hh
        i, f, g, o = jnp.split(gates, 4)
        i = jax.nn.sigmoid(i)
        f = jax.nn.sigmoid(f)
        g = jnp.tanh(g)
        o = jax.nn.sigmoid(o)
        c_new = f * c + i * g
        h_new = o * jnp.tanh(c_new)
        return (h_new, c_new), h_new

    h0 = jnp.zeros((H,), xs.dtype)
    c0 = jnp.zeros((H,), xs.dtype)
    _, hs = jax.lax.scan(step, (h0, c0), xs)
    return hs


def setup_inputs(seed: int = 0) -> dict:
    key = jax.random.key(seed)
    ks = jax.random.split(key, 14)
    x = jax.random.normal(ks[0], (N_NODES, D_FEAT), jnp.float32)
    edge_index = jax.random.randint(ks[1], (2, N_EDGES), 0, N_NODES)
    W1 = jax.random.normal(ks[2], (D_FEAT, H1), jnp.float32) / np.sqrt(D_FEAT)
    b1 = jnp.zeros((H1,), jnp.float32)
    W2 = jax.random.normal(ks[3], (H1, H2), jnp.float32) / np.sqrt(H1)
    b2 = jnp.zeros((H2,), jnp.float32)
    W_ih = jax.random.normal(ks[4], (4 * LSTM_H, H2), jnp.float32) / np.sqrt(H2)
    W_hh = jax.random.normal(ks[5], (4 * LSTM_H, LSTM_H), jnp.float32) / np.sqrt(LSTM_H)
    b_ih = jnp.zeros((4 * LSTM_H,), jnp.float32)
    b_hh = jnp.zeros((4 * LSTM_H,), jnp.float32)
    W_fc = jax.random.normal(ks[6], (N_CLASSES, LSTM_H), jnp.float32) / np.sqrt(LSTM_H)
    b_fc = jnp.zeros((N_CLASSES,), jnp.float32)
    return {"x": x, "edge_index": edge_index, "W1": W1, "b1": b1, "W2": W2, "b2": b2,
            "W_ih": W_ih, "W_hh": W_hh, "b_ih": b_ih, "b_hh": b_hh, "W_fc": W_fc, "b_fc": b_fc}


def reference(x, edge_index, W1, b1, W2, b2, W_ih, W_hh, b_ih, b_hh, W_fc, b_fc):
    src = edge_index[0]
    dst = edge_index[1]
    n = x.shape[0]
    h = jax.nn.relu(_graph_conv(x, src, dst, W1, b1, n))
    h = jax.nn.relu(_graph_conv(h, src, dst, W2, b2, n))
    hs = _lstm(h, W_ih, W_hh, b_ih, b_hh)
    out = hs @ W_fc.T + b_fc
    return out

if __name__ == "__main__":
    import jax
    _d = setup_inputs()
    print(jax.jit(kernel)(*tuple(_d.values())))

</pallas_src>

<mosaic_0001>
#map = affine_map<(d0, d1) -> (0, 0, 0)>
#map1 = affine_map<(d0, d1) -> (0)>
module attributes {stable_mosaic.version = 14 : i64} {
  func.func @_deg_body(%arg0: i32, %arg1: i32, %arg2: memref<32x313x64xi32, #tpu.memory_space<hbm>>, %arg3: memref<20480xf32, #tpu.memory_space<hbm>>, %arg4: memref<10240xf32, #tpu.memory_space<vmem_shared>>, %arg5: memref<313x64xi32, #tpu.memory_space<vmem>>, %arg6: memref<640xf32, #tpu.memory_space<vmem>>, %arg7: memref<64xf32, #tpu.memory_space<vmem>>) attributes {dimension_semantics = [#tpu.dimension_semantics<core_parallel>, #tpu.dimension_semantics<subcore_parallel>], iteration_bounds = array<i64: 2, 16>, scalar_prefetch = 0 : i64, scratch_operands = 4 : i64, tpu.core_type = #tpu.core_type<sc_vector_subcore>, window_params = [{transform_indices = #map}, {transform_indices = #map1}]} {
    %mul3A = arith.constant 16 : i32
    %mul3A_0 = arith.muli %arg0, %mul3A : i32
    %add3A = arith.addi %mul3A_0, %arg1 : i32
    %broadcast_in_dim3A = arith.constant 1.000000e+00 : f32
    %broadcast_in_dim3A_1 = vector.broadcast %broadcast_in_dim3A : f32 to vector<16xf32>
    %swap3A = arith.constant 0 : index
    %swap3A_2 = tpu.vector_load %arg7[%swap3A] {strides = array<i32>} : memref<64xf32, #tpu.memory_space<vmem>>, vector<16xf32>,
    %swap3A_3 = vector.shape_cast %swap3A_2 : vector<16xf32> to vector<16xf32>
    %swap3A_4 = vector.shape_cast %broadcast_in_dim3A_1 : vector<16xf32> to vector<16xf32>
    tpu.vector_store %arg7[%swap3A], %swap3A_4 {strides = array<i32>} : memref<64xf32, #tpu.memory_space<vmem>>, vector<16xf32>,
    %broadcast_in_dim3A_5 = arith.constant 1.000000e+00 : f32
    %broadcast_in_dim3A_6 = vector.broadcast %broadcast_in_dim3A_5 : f32 to vector<16xf32>
    %swap3A_7 = arith.constant 16 : index
    %swap3A_8 = tpu.vector_load %arg7[%swap3A_7] {strides = array<i32>} : memref<64xf32, #tpu.memory_space<vmem>>, vector<16xf32>,
    %swap3A_9 = vector.shape_cast %swap3A_8 : vector<16xf32> to vector<16xf32>
    %swap3A_10 = vector.shape_cast %broadcast_in_dim3A_6 : vector<16xf32> to vector<16xf32>
    tpu.vector_store %arg7[%swap3A_7], %swap3A_10 {strides = array<i32>} : memref<64xf32, #tpu.memory_space<vmem>>, vector<16xf32>,
    %broadcast_in_dim3A_11 = arith.constant 1.000000e+00 : f32
    %broadcast_in_dim3A_12 = vector.broadcast %broadcast_in_dim3A_11 : f32 to vector<16xf32>
    %swap3A_13 = arith.constant 32 : index
    %swap3A_14 = tpu.vector_load %arg7[%swap3A_13] {strides = array<i32>} : memref<64xf32, #tpu.memory_space<vmem>>, vector<16xf32>,
    %swap3A_15 = vector.shape_cast %swap3A_14 : vector<16xf32> to vector<16xf32>
    %swap3A_16 = vector.shape_cast %broadcast_in_dim3A_12 : vector<16xf32> to vector<16xf32>
    tpu.vector_store %arg7[%swap3A_13], %swap3A_16 {strides = array<i32>} : memref<64xf32, #tpu.memory_space<vmem>>, vector<16xf32>,
    %broadcast_in_dim3A_17 = arith.constant 1.000000e+00 : f32
    %broadcast_in_dim3A_18 = vector.broadcast %broadcast_in_dim3A_17 : f32 to vector<16xf32>
    %swap3A_19 = arith.constant 48 : index
    %swap3A_20 = tpu.vector_load %arg7[%swap3A_19] {strides = array<i32>} : memref<64xf32, #tpu.memory_space<vmem>>, vector<16xf32>,
    %swap3A_21 = vector.shape_cast %swap3A_20 : vector<16xf32> to vector<16xf32>
    %swap3A_22 = vector.shape_cast %broadcast_in_dim3A_18 : vector<16xf32> to vector<16xf32>
    tpu.vector_store %arg7[%swap3A_19], %swap3A_22 {strides = array<i32>} : memref<64xf32, #tpu.memory_space<vmem>>, vector<16xf32>,
    %scan3A = arith.constant 0 : i32
    %scan3A_23 = arith.constant 0 : i32
    %scan3A_24 = arith.constant 40 : i32
    %scan3A_25 = arith.addi %scan3A_23, %scan3A_24 : i32
    %scan3A_26 = arith.constant 1 : i32
    %scan3A_27 = scf.for %scan3A_46 = %scan3A_23 to %scan3A_25 step %scan3A_26 iter_args(%scan3A_47 = %scan3A) -> (i32)  : i32 {
      %broadcast_in_dim3A_48 = arith.constant 0.000000e+00 : f32
      %broadcast_in_dim3A_49 = vector.broadcast %broadcast_in_dim3A_48 : f32 to vector<16xf32>
      %mul3A_50 = arith.constant 16 : i32
      %mul3A_51 = arith.muli %scan3A_46, %mul3A_50 : i32
      %swap3A_52 = arith.index_cast %mul3A_51 : i32 to index
      %swap3A_53 = tpu.vector_load %arg6[%swap3A_52] {strides = array<i32>} : memref<640xf32, #tpu.memory_space<vmem>>, vector<16xf32>,
      %swap3A_54 = vector.shape_cast %swap3A_53 : vector<16xf32> to vector<16xf32>
      %swap3A_55 = vector.shape_cast %broadcast_in_dim3A_49 : vector<16xf32> to vector<16xf32>
      tpu.vector_store %arg6[%swap3A_52], %swap3A_55 {strides = array<i32>} : memref<640xf32, #tpu.memory_space<vmem>>, vector<16xf32>,
      %scan3A_56 = arith.constant 0 : i32
      scf.yield %scan3A_56 : i32
    }
    %scan3A_28 = arith.constant 40 : i32
    %mul3A_29 = arith.constant 640 : i32
    %mul3A_30 = arith.muli %arg1, %mul3A_29 : i32
    "tpu.region"() ({
      %run_scoped3A = tpu.sem_alloc : memref<!tpu.dma_semaphore, #tpu.memory_space<semaphore_mem>>
      %dma_start3A = tpu.memref_slice %arg4[%mul3A_30] : memref<10240xf32, #tpu.memory_space<vmem_shared>> -> memref<640xf32, #tpu.memory_space<vmem_shared>>
      %dma_start3A_46 = tpu.memref_slice %arg4[%mul3A_30] : memref<10240xf32, #tpu.memory_space<vmem_shared>> -> memref<640xf32, #tpu.memory_space<vmem_shared>>
      tpu.enqueue_dma source(%arg6 : memref<640xf32, #tpu.memory_space<vmem>>) target(%dma_start3A_46 : memref<640xf32, #tpu.memory_space<vmem_shared>>) target_semaphore(%run_scoped3A : memref<!tpu.dma_semaphore, #tpu.memory_space<semaphore_mem>>)
      %dma_wait3A = tpu.memref_slice %arg4[%mul3A_30] : memref<10240xf32, #tpu.memory_space<vmem_shared>> -> memref<640xf32, #tpu.memory_space<vmem_shared>>
      %dma_wait3A_47 = tpu.memref_slice %arg4[%mul3A_30] : memref<10240xf32, #tpu.memory_space<vmem_shared>> -> memref<640xf32, #tpu.memory_space<vmem_shared>>
      tpu.wait_dma2 semaphore(%run_scoped3A : memref<!tpu.dma_semaphore, #tpu.memory_space<semaphore_mem>>) src(%arg6 : memref<640xf32, #tpu.memory_space<vmem>>) dst(%dma_wait3A_47 : memref<640xf32, #tpu.memory_space<vmem_shared>>)
      tpu.yield
    }) : () -> ()
    "tpu.region"() ({
      %run_scoped3A = tpu.sem_alloc : memref<!tpu.dma_semaphore, #tpu.memory_space<semaphore_mem>>
      %dma_start3A = arith.constant 0 : i32
      %dma_start3A_46 = arith.constant 0 : i32
      %dma_start3A_47 = tpu.memref_slice %arg2[%add3A, %dma_start3A, %dma_start3A_46] : memref<32x313x64xi32, #tpu.memory_space<hbm>> -> memref<1x313x64xi32, #tpu.memory_space<hbm>>
      %dma_start3A_48 = tpu.memref_squeeze %dma_start3A_47 : memref<1x313x64xi32, #tpu.memory_space<hbm>> -> memref<313x64xi32, #tpu.memory_space<hbm>>
      %dma_start3A_49 = arith.constant 0 : i32
      %dma_start3A_50 = arith.constant 0 : i32
      %dma_start3A_51 = tpu.memref_slice %arg2[%add3A, %dma_start3A_49, %dma_start3A_50] : memref<32x313x64xi32, #tpu.memory_space<hbm>> -> memref<1x313x64xi32, #tpu.memory_space<hbm>>
      %dma_start3A_52 = tpu.memref_squeeze %dma_start3A_51 : memref<1x313x64xi32, #tpu.memory_space<hbm>> -> memref<313x64xi32, #tpu.memory_space<hbm>>
      tpu.enqueue_dma source(%dma_start3A_52 : memref<313x64xi32, #tpu.memory_space<hbm>>) target(%arg5 : memref<313x64xi32, #tpu.memory_space<vmem>>) target_semaphore(%run_scoped3A : memref<!tpu.dma_semaphore, #tpu.memory_space<semaphore_mem>>)
      %dma_wait3A = arith.constant 0 : i32
      %dma_wait3A_53 = arith.constant 0 : i32
      %dma_wait3A_54 = tpu.memref_slice %arg2[%add3A, %dma_wait3A, %dma_wait3A_53] : memref<32x313x64xi32, #tpu.memory_space<hbm>> -> memref<1x313x64xi32, #tpu.memory_space<hbm>>
      %dma_wait3A_55 = tpu.memref_squeeze %dma_wait3A_54 : memref<1x313x64xi32, #tpu.memory_space<hbm>> -> memref<313x64xi32, #tpu.memory_space<hbm>>
      %dma_wait3A_56 = arith.constant 0 : i32
      %dma_wait3A_57 = arith.constant 0 : i32
      %dma_wait3A_58 = tpu.memref_slice %arg2[%add3A, %dma_wait3A_56, %dma_wait3A_57] : memref<32x313x64xi32, #tpu.memory_space<hbm>> -> memref<1x313x64xi32, #tpu.memory_space<hbm>>
      %dma_wait3A_59 = tpu.memref_squeeze %dma_wait3A_58 : memref<1x313x64xi32, #tpu.memory_space<hbm>> -> memref<313x64xi32, #tpu.memory_space<hbm>>
      tpu.wait_dma2 semaphore(%run_scoped3A : memref<!tpu.dma_semaphore, #tpu.memory_space<semaphore_mem>>) src(%dma_wait3A_59 : memref<313x64xi32, #tpu.memory_space<hbm>>) dst(%arg5 : memref<313x64xi32, #tpu.memory_space<vmem>>)
      tpu.yield
    }) : () -> ()
    %barrier3A = arith.constant 0 : index
    tpu.barrier barrier_id(%barrier3A)
    %scan3A_31 = arith.constant 0 : i32
    %scan3A_32 = arith.constant 0 : i32
    %scan3A_33 = arith.constant 313 : i32
    %scan3A_34 = arith.addi %scan3A_32, %scan3A_33 : i32
    %scan3A_35 = arith.constant 1 : i32
    %scan3A_36 = scf.for %scan3A_46 = %scan3A_32 to %scan3A_34 step %scan3A_35 iter_args(%scan3A_47 = %scan3A_31) -> (i32)  : i32 {
      "tpu.region"() ({
        %run_scoped3A = tpu.sem_alloc : memref<!tpu.dma_semaphore, #tpu.memory_space<semaphore_mem>>
        %dma_start3A = arith.constant 0 : i32
        %dma_start3A_49 = tpu.memref_slice %arg5[%scan3A_46, %dma_start3A] : memref<313x64xi32, #tpu.memory_space<vmem>> -> memref<1x64xi32, #tpu.memory_space<vmem>>
        %dma_start3A_50 = tpu.memref_squeeze %dma_start3A_49 : memref<1x64xi32, #tpu.memory_space<vmem>> -> memref<64xi32, #tpu.memory_space<vmem>>
        %dma_start3A_51 = arith.constant 0 : i32
        %dma_start3A_52 = tpu.memref_slice %arg4[%dma_start3A_51] : memref<10240xf32, #tpu.memory_space<vmem_shared>> -> memref<10240xf32, #tpu.memory_space<vmem_shared>>
        tpu.enqueue_indirect_dma source(%arg7 : memref<64xf32, #tpu.memory_space<vmem>>) target(%dma_start3A_52 : memref<10240xf32, #tpu.memory_space<vmem_shared>>) offsets(%dma_start3A_50 : memref<64xi32, #tpu.memory_space<vmem>>) semaphore(%run_scoped3A : memref<!tpu.dma_semaphore, #tpu.memory_space<semaphore_mem>>) {add = true}
        %dma_wait3A = arith.constant 0 : i32
        %dma_wait3A_53 = tpu.memref_slice %arg5[%scan3A_46, %dma_wait3A] : memref<313x64xi32, #tpu.memory_space<vmem>> -> memref<1x64xi32, #tpu.memory_space<vmem>>
        %dma_wait3A_54 = tpu.memref_squeeze %dma_wait3A_53 : memref<1x64xi32, #tpu.memory_space<vmem>> -> memref<64xi32, #tpu.memory_space<vmem>>
        %dma_wait3A_55 = arith.constant 0 : i32
        %dma_wait3A_56 = tpu.memref_slice %arg4[%dma_wait3A_55] : memref<10240xf32, #tpu.memory_space<vmem_shared>> -> memref<10240xf32, #tpu.memory_space<vmem_shared>>
        tpu.wait_indirect_dma semaphore(%run_scoped3A : memref<!tpu.dma_semaphore, #tpu.memory_space<semaphore_mem>>) src(%arg7 : memref<64xf32, #tpu.memory_space<vmem>>) dst(%dma_wait3A_56 : memref<10240xf32, #tpu.memory_space<vmem_shared>>)
        tpu.yield
      }) : () -> ()
      %scan3A_48 = arith.constant 0 : i32
      scf.yield %scan3A_48 : i32
    }
    %scan3A_37 = arith.constant 313 : i32
    %barrier3A_38 = arith.constant 0 : index
    tpu.barrier barrier_id(%barrier3A_38)
    %mul3A_39 = arith.constant 640 : i32
    %mul3A_40 = arith.muli %arg1, %mul3A_39 : i32
    %mul3A_41 = arith.constant 10240 : i32
    %mul3A_42 = arith.muli %arg0, %mul3A_41 : i32
    %mul3A_43 = arith.constant 640 : i32
    %mul3A_44 = arith.muli %arg1, %mul3A_43 : i32
    %add3A_45 = arith.addi %mul3A_42, %mul3A_44 : i32
    "tpu.region"() ({
      %run_scoped3A = tpu.sem_alloc : memref<!tpu.dma_semaphore, #tpu.memory_space<semaphore_mem>>
      %dma_start3A = tpu.memref_slice %arg3[%add3A_45] : memref<20480xf32, #tpu.memory_space<hbm>> -> memref<640xf32, #tpu.memory_space<hbm>>
      %dma_start3A_46 = tpu.memref_slice %arg4[%mul3A_40] : memref<10240xf32, #tpu.memory_space<vmem_shared>> -> memref<640xf32, #tpu.memory_space<vmem_shared>>
      tpu.enqueue_dma source(%dma_start3A_46 : memref<640xf32, #tpu.memory_space<vmem_shared>>) target(%dma_start3A : memref<640xf32, #tpu.memory_space<hbm>>) target_semaphore(%run_scoped3A : memref<!tpu.dma_semaphore, #tpu.memory_space<semaphore_mem>>)
      %dma_wait3A = tpu.memref_slice %arg3[%add3A_45] : memref<20480xf32, #tpu.memory_space<hbm>> -> memref<640xf32, #tpu.memory_space<hbm>>
      %dma_wait3A_47 = tpu.memref_slice %arg4[%mul3A_40] : memref<10240xf32, #tpu.memory_space<vmem_shared>> -> memref<640xf32, #tpu.memory_space<vmem_shared>>
      tpu.wait_dma2 semaphore(%run_scoped3A : memref<!tpu.dma_semaphore, #tpu.memory_space<semaphore_mem>>) src(%dma_wait3A_47 : memref<640xf32, #tpu.memory_space<vmem_shared>>) dst(%dma_wait3A : memref<640xf32, #tpu.memory_space<hbm>>)
      tpu.yield
    }) : () -> ()
    return
  }
}

#map = affine_map<(d0, d1) -> (0, 0)>
#map1 = affine_map<(d0, d1) -> (0, 0, 0)>
module attributes {stable_mosaic.version = 14 : i64} {
  func.func @_mp_body(%arg0: i32, %arg1: i32, %arg2: memref<10240x128xf32, #tpu.memory_space<hbm>>, %arg3: memref<10240x128xf32, #tpu.memory_space<hbm>>, %arg4: memref<32x158x64xi32, #tpu.memory_space<hbm>>, %arg5: memref<32x158x64xi32, #tpu.memory_space<hbm>>, %arg6: memref<20480x128xf32, #tpu.memory_space<hbm>>, %arg7: memref<10240x128xf32, #tpu.memory_space<vmem_shared>>, %arg8: memref<158x64xi32, #tpu.memory_space<vmem>>, %arg9: memref<158x64xi32, #tpu.memory_space<vmem>>, %arg10: memref<64x128xf32, #tpu.memory_space<vmem>>) attributes {dimension_semantics = [#tpu.dimension_semantics<core_parallel>, #tpu.dimension_semantics<subcore_parallel>], iteration_bounds = array<i64: 2, 16>, scalar_prefetch = 0 : i64, scratch_operands = 4 : i64, tpu.core_type = #tpu.core_type<sc_vector_subcore>, window_params = [{transform_indices = #map}, {transform_indices = #map}, {transform_indices = #map1}, {transform_indices = #map1}, {transform_indices = #map}]} {
    %mul3A = arith.constant 16 : i32
    %mul3A_0 = arith.muli %arg0, %mul3A : i32
    %add3A = arith.addi %mul3A_0, %arg1 : i32
    %mul3A_1 = arith.constant 640 : i32
    %mul3A_2 = arith.muli %arg1, %mul3A_1 : i32
    "tpu.region"() ({
      %run_scoped3A = tpu.sem_alloc : memref<!tpu.dma_semaphore, #tpu.memory_space<semaphore_mem>>
      %dma_start3A = arith.constant 0 : i32
      %dma_start3A_15 = tpu.memref_slice %arg7[%mul3A_2, %dma_start3A] : memref<10240x128xf32, #tpu.memory_space<vmem_shared>> -> memref<640x128xf32, #tpu.memory_space<vmem_shared>>
      %dma_start3A_16 = arith.constant 0 : i32
      %dma_start3A_17 = tpu.memref_slice %arg3[%mul3A_2, %dma_start3A_16] : memref<10240x128xf32, #tpu.memory_space<hbm>> -> memref<640x128xf32, #tpu.memory_space<hbm>>
      tpu.enqueue_dma source(%dma_start3A_17 : memref<640x128xf32, #tpu.memory_space<hbm>>) target(%dma_start3A_15 : memref<640x128xf32, #tpu.memory_space<vmem_shared>>) target_semaphore(%run_scoped3A : memref<!tpu.dma_semaphore, #tpu.memory_space<semaphore_mem>>)
      %dma_wait3A = arith.constant 0 : i32
      %dma_wait3A_18 = tpu.memref_slice %arg7[%mul3A_2, %dma_wait3A] : memref<10240x128xf32, #tpu.memory_space<vmem_shared>> -> memref<640x128xf32, #tpu.memory_space<vmem_shared>>
      %dma_wait3A_19 = arith.constant 0 : i32
      %dma_wait3A_20 = tpu.memref_slice %arg3[%mul3A_2, %dma_wait3A_19] : memref<10240x128xf32, #tpu.memory_space<hbm>> -> memref<640x128xf32, #tpu.memory_space<hbm>>
      tpu.wait_dma2 semaphore(%run_scoped3A : memref<!tpu.dma_semaphore, #tpu.memory_space<semaphore_mem>>) src(%dma_wait3A_20 : memref<640x128xf32, #tpu.memory_space<hbm>>) dst(%dma_wait3A_18 : memref<640x128xf32, #tpu.memory_space<vmem_shared>>)
      tpu.yield
    }) : () -> ()
    "tpu.region"() ({
      %run_scoped3A = tpu.sem_alloc : memref<!tpu.dma_semaphore, #tpu.memory_space<semaphore_mem>>
      %dma_start3A = arith.constant 0 : i32
      %dma_start3A_15 = arith.constant 0 : i32
      %dma_start3A_16 = tpu.memref_slice %arg4[%add3A, %dma_start3A, %dma_start3A_15] : memref<32x158x64xi32, #tpu.memory_space<hbm>> -> memref<1x158x64xi32, #tpu.memory_space<hbm>>
      %dma_start3A_17 = tpu.memref_squeeze %dma_start3A_16 : memref<1x158x64xi32, #tpu.memory_space<hbm>> -> memref<158x64xi32, #tpu.memory_space<hbm>>
      %dma_start3A_18 = arith.constant 0 : i32
      %dma_start3A_19 = arith.constant 0 : i32
      %dma_start3A_20 = tpu.memref_slice %arg4[%add3A, %dma_start3A_18, %dma_start3A_19] : memref<32x158x64xi32, #tpu.memory_space<hbm>> -> memref<1x158x64xi32, #tpu.memory_space<hbm>>
      %dma_start3A_21 = tpu.memref_squeeze %dma_start3A_20 : memref<1x158x64xi32, #tpu.memory_space<hbm>> -> memref<158x64xi32, #tpu.memory_space<hbm>>
      tpu.enqueue_dma source(%dma_start3A_21 : memref<158x64xi32, #tpu.memory_space<hbm>>) target(%arg8 : memref<158x64xi32, #tpu.memory_space<vmem>>) target_semaphore(%run_scoped3A : memref<!tpu.dma_semaphore, #tpu.memory_space<semaphore_mem>>)
      %dma_wait3A = arith.constant 0 : i32
      %dma_wait3A_22 = arith.constant 0 : i32
      %dma_wait3A_23 = tpu.memref_slice %arg4[%add3A, %dma_wait3A, %dma_wait3A_22] : memref<32x158x64xi32, #tpu.memory_space<hbm>> -> memref<1x158x64xi32, #tpu.memory_space<hbm>>
      %dma_wait3A_24 = tpu.memref_squeeze %dma_wait3A_23 : memref<1x158x64xi32, #tpu.memory_space<hbm>> -> memref<158x64xi32, #tpu.memory_space<hbm>>
      %dma_wait3A_25 = arith.constant 0 : i32
      %dma_wait3A_26 = arith.constant 0 : i32
      %dma_wait3A_27 = tpu.memref_slice %arg4[%add3A, %dma_wait3A_25, %dma_wait3A_26] : memref<32x158x64xi32, #tpu.memory_space<hbm>> -> memref<1x158x64xi32, #tpu.memory_space<hbm>>
      %dma_wait3A_28 = tpu.memref_squeeze %dma_wait3A_27 : memref<1x158x64xi32, #tpu.memory_space<hbm>> -> memref<158x64xi32, #tpu.memory_space<hbm>>
      tpu.wait_dma2 semaphore(%run_scoped3A : memref<!tpu.dma_semaphore, #tpu.memory_space<semaphore_mem>>) src(%dma_wait3A_28 : memref<158x64xi32, #tpu.memory_space<hbm>>) dst(%arg8 : memref<158x64xi32, #tpu.memory_space<vmem>>)
      tpu.yield
    }) : () -> ()
    "tpu.region"() ({
      %run_scoped3A = tpu.sem_alloc : memref<!tpu.dma_semaphore, #tpu.memory_space<semaphore_mem>>
      %dma_start3A = arith.constant 0 : i32
      %dma_start3A_15 = arith.constant 0 : i32
      %dma_start3A_16 = tpu.memref_slice %arg5[%add3A, %dma_start3A, %dma_start3A_15] : memref<32x158x64xi32, #tpu.memory_space<hbm>> -> memref<1x158x64xi32, #tpu.memory_space<hbm>>
      %dma_start3A_17 = tpu.memref_squeeze %dma_start3A_16 : memref<1x158x64xi32, #tpu.memory_space<hbm>> -> memref<158x64xi32, #tpu.memory_space<hbm>>
      %dma_start3A_18 = arith.constant 0 : i32
      %dma_start3A_19 = arith.constant 0 : i32
      %dma_start3A_20 = tpu.memref_slice %arg5[%add3A, %dma_start3A_18, %dma_start3A_19] : memref<32x158x64xi32, #tpu.memory_space<hbm>> -> memref<1x158x64xi32, #tpu.memory_space<hbm>>
      %dma_start3A_21 = tpu.memref_squeeze %dma_start3A_20 : memref<1x158x64xi32, #tpu.memory_space<hbm>> -> memref<158x64xi32, #tpu.memory_space<hbm>>
      tpu.enqueue_dma source(%dma_start3A_21 : memref<158x64xi32, #tpu.memory_space<hbm>>) target(%arg9 : memref<158x64xi32, #tpu.memory_space<vmem>>) target_semaphore(%run_scoped3A : memref<!tpu.dma_semaphore, #tpu.memory_space<semaphore_mem>>)
      %dma_wait3A = arith.constant 0 : i32
      %dma_wait3A_22 = arith.constant 0 : i32
      %dma_wait3A_23 = tpu.memref_slice %arg5[%add3A, %dma_wait3A, %dma_wait3A_22] : memref<32x158x64xi32, #tpu.memory_space<hbm>> -> memref<1x158x64xi32, #tpu.memory_space<hbm>>
      %dma_wait3A_24 = tpu.memref_squeeze %dma_wait3A_23 : memref<1x158x64xi32, #tpu.memory_space<hbm>> -> memref<158x64xi32, #tpu.memory_space<hbm>>
      %dma_wait3A_25 = arith.constant 0 : i32
      %dma_wait3A_26 = arith.constant 0 : i32
      %dma_wait3A_27 = tpu.memref_slice %arg5[%add3A, %dma_wait3A_25, %dma_wait3A_26] : memref<32x158x64xi32, #tpu.memory_space<hbm>> -> memref<1x158x64xi32, #tpu.memory_space<hbm>>
      %dma_wait3A_28 = tpu.memref_squeeze %dma_wait3A_27 : memref<1x158x64xi32, #tpu.memory_space<hbm>> -> memref<158x64xi32, #tpu.memory_space<hbm>>
      tpu.wait_dma2 semaphore(%run_scoped3A : memref<!tpu.dma_semaphore, #tpu.memory_space<semaphore_mem>>) src(%dma_wait3A_28 : memref<158x64xi32, #tpu.memory_space<hbm>>) dst(%arg9 : memref<158x64xi32, #tpu.memory_space<vmem>>)
      tpu.yield
    }) : () -> ()
    %barrier3A = arith.constant 0 : index
    tpu.barrier barrier_id(%barrier3A)
    %scan3A = arith.constant 0 : i32
    %scan3A_3 = arith.constant 0 : i32
    %scan3A_4 = arith.constant 158 : i32
    %scan3A_5 = arith.addi %scan3A_3, %scan3A_4 : i32
    %scan3A_6 = arith.constant 1 : i32
    %scan3A_7 = scf.for %scan3A_15 = %scan3A_3 to %scan3A_5 step %scan3A_6 iter_args(%scan3A_16 = %scan3A) -> (i32)  : i32 {
      "tpu.region"() ({
        %run_scoped3A = tpu.sem_alloc : memref<!tpu.dma_semaphore, #tpu.memory_space<semaphore_mem>>
        %dma_start3A = arith.constant 0 : i32
        %dma_start3A_18 = tpu.memref_slice %arg8[%scan3A_15, %dma_start3A] : memref<158x64xi32, #tpu.memory_space<vmem>> -> memref<1x64xi32, #tpu.memory_space<vmem>>
        %dma_start3A_19 = tpu.memref_squeeze %dma_start3A_18 : memref<1x64xi32, #tpu.memory_space<vmem>> -> memref<64xi32, #tpu.memory_space<vmem>>
        %dma_start3A_20 = arith.constant 0 : i32
        %dma_start3A_21 = arith.constant 0 : i32
        %dma_start3A_22 = tpu.memref_slice %arg2[%dma_start3A_20, %dma_start3A_21] : memref<10240x128xf32, #tpu.memory_space<hbm>> -> memref<10240x128xf32, #tpu.memory_space<hbm>>
        tpu.enqueue_indirect_dma source(%dma_start3A_22 : memref<10240x128xf32, #tpu.memory_space<hbm>>) target(%arg10 : memref<64x128xf32, #tpu.memory_space<vmem>>) offsets(%dma_start3A_19 : memref<64xi32, #tpu.memory_space<vmem>>) semaphore(%run_scoped3A : memref<!tpu.dma_semaphore, #tpu.memory_space<semaphore_mem>>)
        %dma_wait3A = arith.constant 0 : i32
        %dma_wait3A_23 = tpu.memref_slice %arg8[%scan3A_15, %dma_wait3A] : memref<158x64xi32, #tpu.memory_space<vmem>> -> memref<1x64xi32, #tpu.memory_space<vmem>>
        %dma_wait3A_24 = tpu.memref_squeeze %dma_wait3A_23 : memref<1x64xi32, #tpu.memory_space<vmem>> -> memref<64xi32, #tpu.memory_space<vmem>>
        %dma_wait3A_25 = arith.constant 0 : i32
        %dma_wait3A_26 = arith.constant 0 : i32
        %dma_wait3A_27 = tpu.memref_slice %arg2[%dma_wait3A_25, %dma_wait3A_26] : memref<10240x128xf32, #tpu.memory_space<hbm>> -> memref<10240x128xf32, #tpu.memory_space<hbm>>
        tpu.wait_indirect_dma semaphore(%run_scoped3A : memref<!tpu.dma_semaphore, #tpu.memory_space<semaphore_mem>>) src(%dma_wait3A_27 : memref<10240x128xf32, #tpu.memory_space<hbm>>) dst(%arg10 : memref<64x128xf32, #tpu.memory_space<vmem>>)
        tpu.yield
      }) : () -> ()
      "tpu.region"() ({
        %run_scoped3A = tpu.sem_alloc : memref<!tpu.dma_semaphore, #tpu.memory_space<semaphore_mem>>
        %dma_start3A = arith.constant 0 : i32
        %dma_start3A_18 = tpu.memref_slice %arg9[%scan3A_15, %dma_start3A] : memref<158x64xi32, #tpu.memory_space<vmem>> -> memref<1x64xi32, #tpu.memory_space<vmem>>
        %dma_start3A_19 = tpu.memref_squeeze %dma_start3A_18 : memref<1x64xi32, #tpu.memory_space<vmem>> -> memref<64xi32, #tpu.memory_space<vmem>>
        %dma_start3A_20 = arith.constant 0 : i32
        %dma_start3A_21 = arith.constant 0 : i32
        %dma_start3A_22 = tpu.memref_slice %arg7[%dma_start3A_20, %dma_start3A_21] : memref<10240x128xf32, #tpu.memory_space<vmem_shared>> -> memref<10240x128xf32, #tpu.memory_space<vmem_shared>>
        tpu.enqueue_indirect_dma source(%arg10 : memref<64x128xf32, #tpu.memory_space<vmem>>) target(%dma_start3A_22 : memref<10240x128xf32, #tpu.memory_space<vmem_shared>>) offsets(%dma_start3A_19 : memref<64xi32, #tpu.memory_space<vmem>>) semaphore(%run_scoped3A : memref<!tpu.dma_semaphore, #tpu.memory_space<semaphore_mem>>) {add = true}
        %dma_wait3A = arith.constant 0 : i32
        %dma_wait3A_23 = tpu.memref_slice %arg9[%scan3A_15, %dma_wait3A] : memref<158x64xi32, #tpu.memory_space<vmem>> -> memref<1x64xi32, #tpu.memory_space<vmem>>
        %dma_wait3A_24 = tpu.memref_squeeze %dma_wait3A_23 : memref<1x64xi32, #tpu.memory_space<vmem>> -> memref<64xi32, #tpu.memory_space<vmem>>
        %dma_wait3A_25 = arith.constant 0 : i32
        %dma_wait3A_26 = arith.constant 0 : i32
        %dma_wait3A_27 = tpu.memref_slice %arg7[%dma_wait3A_25, %dma_wait3A_26] : memref<10240x128xf32, #tpu.memory_space<vmem_shared>> -> memref<10240x128xf32, #tpu.memory_space<vmem_shared>>
        tpu.wait_indirect_dma semaphore(%run_scoped3A : memref<!tpu.dma_semaphore, #tpu.memory_space<semaphore_mem>>) src(%arg10 : memref<64x128xf32, #tpu.memory_space<vmem>>) dst(%dma_wait3A_27 : memref<10240x128xf32, #tpu.memory_space<vmem_shared>>)
        tpu.yield
      }) : () -> ()
      %scan3A_17 = arith.constant 0 : i32
      scf.yield %scan3A_17 : i32
    }
    %scan3A_8 = arith.constant 158 : i32
    %barrier3A_9 = arith.constant 0 : index
    tpu.barrier barrier_id(%barrier3A_9)
    %mul3A_10 = arith.constant 10240 : i32
    %mul3A_11 = arith.muli %arg0, %mul3A_10 : i32
    %mul3A_12 = arith.constant 640 : i32
    %mul3A_13 = arith.muli %arg1, %mul3A_12 : i32
    %add3A_14 = arith.addi %mul3A_11, %mul3A_13 : i32
    "tpu.region"() ({
      %run_scoped3A = tpu.sem_alloc : memref<!tpu.dma_semaphore, #tpu.memory_space<semaphore_mem>>
      %dma_start3A = arith.constant 0 : i32
      %dma_start3A_15 = tpu.memref_slice %arg6[%add3A_14, %dma_start3A] : memref<20480x128xf32, #tpu.memory_space<hbm>> -> memref<640x128xf32, #tpu.memory_space<hbm>>
      %dma_start3A_16 = arith.constant 0 : i32
      %dma_start3A_17 = tpu.memref_slice %arg7[%mul3A_2, %dma_start3A_16] : memref<10240x128xf32, #tpu.memory_space<vmem_shared>> -> memref<640x128xf32, #tpu.memory_space<vmem_shared>>
      tpu.enqueue_dma source(%dma_start3A_17 : memref<640x128xf32, #tpu.memory_space<vmem_shared>>) target(%dma_start3A_15 : memref<640x128xf32, #tpu.memory_space<hbm>>) target_semaphore(%run_scoped3A : memref<!tpu.dma_semaphore, #tpu.memory_space<semaphore_mem>>)
      %dma_wait3A = arith.constant 0 : i32
      %dma_wait3A_18 = tpu.memref_slice %arg6[%add3A_14, %dma_wait3A] : memref<20480x128xf32, #tpu.memory_space<hbm>> -> memref<640x128xf32, #tpu.memory_space<hbm>>
      %dma_wait3A_19 = arith.constant 0 : i32
      %dma_wait3A_20 = tpu.memref_slice %arg7[%mul3A_2, %dma_wait3A_19] : memref<10240x128xf32, #tpu.memory_space<vmem_shared>> -> memref<640x128xf32, #tpu.memory_space<vmem_shared>>
      tpu.wait_dma2 semaphore(%run_scoped3A : memref<!tpu.dma_semaphore, #tpu.memory_space<semaphore_mem>>) src(%dma_wait3A_20 : memref<640x128xf32, #tpu.memory_space<vmem_shared>>) dst(%dma_wait3A_18 : memref<640x128xf32, #tpu.memory_space<hbm>>)
      tpu.yield
    }) : () -> ()
    return
  }
}

#map = affine_map<(d0, d1) -> (0, 0)>
#map1 = affine_map<(d0, d1) -> (0, 0, 0)>
module attributes {stable_mosaic.version = 14 : i64} {
  func.func @_mp_body(%arg0: i32, %arg1: i32, %arg2: memref<10240x128xf32, #tpu.memory_space<hbm>>, %arg3: memref<10240x128xf32, #tpu.memory_space<hbm>>, %arg4: memref<32x158x64xi32, #tpu.memory_space<hbm>>, %arg5: memref<32x158x64xi32, #tpu.memory_space<hbm>>, %arg6: memref<20480x128xf32, #tpu.memory_space<hbm>>, %arg7: memref<10240x128xf32, #tpu.memory_space<vmem_shared>>, %arg8: memref<158x64xi32, #tpu.memory_space<vmem>>, %arg9: memref<158x64xi32, #tpu.memory_space<vmem>>, %arg10: memref<64x128xf32, #tpu.memory_space<vmem>>) attributes {dimension_semantics = [#tpu.dimension_semantics<core_parallel>, #tpu.dimension_semantics<subcore_parallel>], iteration_bounds = array<i64: 2, 16>, scalar_prefetch = 0 : i64, scratch_operands = 4 : i64, tpu.core_type = #tpu.core_type<sc_vector_subcore>, window_params = [{transform_indices = #map}, {transform_indices = #map}, {transform_indices = #map1}, {transform_indices = #map1}, {transform_indices = #map}]} {
    %mul3A = arith.constant 16 : i32
    %mul3A_0 = arith.muli %arg0, %mul3A : i32
    %add3A = arith.addi %mul3A_0, %arg1 : i32
    %mul3A_1 = arith.constant 640 : i32
    %mul3A_2 = arith.muli %arg1, %mul3A_1 : i32
    "tpu.region"() ({
      %run_scoped3A = tpu.sem_alloc : memref<!tpu.dma_semaphore, #tpu.memory_space<semaphore_mem>>
      %dma_start3A = arith.constant 0 : i32
      %dma_start3A_15 = tpu.memref_slice %arg7[%mul3A_2, %dma_start3A] : memref<10240x128xf32, #tpu.memory_space<vmem_shared>> -> memref<640x128xf32, #tpu.memory_space<vmem_shared>>
      %dma_start3A_16 = arith.constant 0 : i32
      %dma_start3A_17 = tpu.memref_slice %arg3[%mul3A_2, %dma_start3A_16] : memref<10240x128xf32, #tpu.memory_space<hbm>> -> memref<640x128xf32, #tpu.memory_space<hbm>>
      tpu.enqueue_dma source(%dma_start3A_17 : memref<640x128xf32, #tpu.memory_space<hbm>>) target(%dma_start3A_15 : memref<640x128xf32, #tpu.memory_space<vmem_shared>>) target_semaphore(%run_scoped3A : memref<!tpu.dma_semaphore, #tpu.memory_space<semaphore_mem>>)
      %dma_wait3A = arith.constant 0 : i32
      %dma_wait3A_18 = tpu.memref_slice %arg7[%mul3A_2, %dma_wait3A] : memref<10240x128xf32, #tpu.memory_space<vmem_shared>> -> memref<640x128xf32, #tpu.memory_space<vmem_shared>>
      %dma_wait3A_19 = arith.constant 0 : i32
      %dma_wait3A_20 = tpu.memref_slice %arg3[%mul3A_2, %dma_wait3A_19] : memref<10240x128xf32, #tpu.memory_space<hbm>> -> memref<640x128xf32, #tpu.memory_space<hbm>>
      tpu.wait_dma2 semaphore(%run_scoped3A : memref<!tpu.dma_semaphore, #tpu.memory_space<semaphore_mem>>) src(%dma_wait3A_20 : memref<640x128xf32, #tpu.memory_space<hbm>>) dst(%dma_wait3A_18 : memref<640x128xf32, #tpu.memory_space<vmem_shared>>)
      tpu.yield
    }) : () -> ()
    "tpu.region"() ({
      %run_scoped3A = tpu.sem_alloc : memref<!tpu.dma_semaphore, #tpu.memory_space<semaphore_mem>>
      %dma_start3A = arith.constant 0 : i32
      %dma_start3A_15 = arith.constant 0 : i32
      %dma_start3A_16 = tpu.memref_slice %arg4[%add3A, %dma_start3A, %dma_start3A_15] : memref<32x158x64xi32, #tpu.memory_space<hbm>> -> memref<1x158x64xi32, #tpu.memory_space<hbm>>
      %dma_start3A_17 = tpu.memref_squeeze %dma_start3A_16 : memref<1x158x64xi32, #tpu.memory_space<hbm>> -> memref<158x64xi32, #tpu.memory_space<hbm>>
      %dma_start3A_18 = arith.constant 0 : i32
      %dma_start3A_19 = arith.constant 0 : i32
      %dma_start3A_20 = tpu.memref_slice %arg4[%add3A, %dma_start3A_18, %dma_start3A_19] : memref<32x158x64xi32, #tpu.memory_space<hbm>> -> memref<1x158x64xi32, #tpu.memory_space<hbm>>
      %dma_start3A_21 = tpu.memref_squeeze %dma_start3A_20 : memref<1x158x64xi32, #tpu.memory_space<hbm>> -> memref<158x64xi32, #tpu.memory_space<hbm>>
      tpu.enqueue_dma source(%dma_start3A_21 : memref<158x64xi32, #tpu.memory_space<hbm>>) target(%arg8 : memref<158x64xi32, #tpu.memory_space<vmem>>) target_semaphore(%run_scoped3A : memref<!tpu.dma_semaphore, #tpu.memory_space<semaphore_mem>>)
      %dma_wait3A = arith.constant 0 : i32
      %dma_wait3A_22 = arith.constant 0 : i32
      %dma_wait3A_23 = tpu.memref_slice %arg4[%add3A, %dma_wait3A, %dma_wait3A_22] : memref<32x158x64xi32, #tpu.memory_space<hbm>> -> memref<1x158x64xi32, #tpu.memory_space<hbm>>
      %dma_wait3A_24 = tpu.memref_squeeze %dma_wait3A_23 : memref<1x158x64xi32, #tpu.memory_space<hbm>> -> memref<158x64xi32, #tpu.memory_space<hbm>>
      %dma_wait3A_25 = arith.constant 0 : i32
      %dma_wait3A_26 = arith.constant 0 : i32
      %dma_wait3A_27 = tpu.memref_slice %arg4[%add3A, %dma_wait3A_25, %dma_wait3A_26] : memref<32x158x64xi32, #tpu.memory_space<hbm>> -> memref<1x158x64xi32, #tpu.memory_space<hbm>>
      %dma_wait3A_28 = tpu.memref_squeeze %dma_wait3A_27 : memref<1x158x64xi32, #tpu.memory_space<hbm>> -> memref<158x64xi32, #tpu.memory_space<hbm>>
      tpu.wait_dma2 semaphore(%run_scoped3A : memref<!tpu.dma_semaphore, #tpu.memory_space<semaphore_mem>>) src(%dma_wait3A_28 : memref<158x64xi32, #tpu.memory_space<hbm>>) dst(%arg8 : memref<158x64xi32, #tpu.memory_space<vmem>>)
      tpu.yield
    }) : () -> ()
    "tpu.region"() ({
      %run_scoped3A = tpu.sem_alloc : memref<!tpu.dma_semaphore, #tpu.memory_space<semaphore_mem>>
      %dma_start3A = arith.constant 0 : i32
      %dma_start3A_15 = arith.constant 0 : i32
      %dma_start3A_16 = tpu.memref_slice %arg5[%add3A, %dma_start3A, %dma_start3A_15] : memref<32x158x64xi32, #tpu.memory_space<hbm>> -> memref<1x158x64xi32, #tpu.memory_space<hbm>>
      %dma_start3A_17 = tpu.memref_squeeze %dma_start3A_16 : memref<1x158x64xi32, #tpu.memory_space<hbm>> -> memref<158x64xi32, #tpu.memory_space<hbm>>
      %dma_start3A_18 = arith.constant 0 : i32
      %dma_start3A_19 = arith.constant 0 : i32
      %dma_start3A_20 = tpu.memref_slice %arg5[%add3A, %dma_start3A_18, %dma_start3A_19] : memref<32x158x64xi32, #tpu.memory_space<hbm>> -> memref<1x158x64xi32, #tpu.memory_space<hbm>>
      %dma_start3A_21 = tpu.memref_squeeze %dma_start3A_20 : memref<1x158x64xi32, #tpu.memory_space<hbm>> -> memref<158x64xi32, #tpu.memory_space<hbm>>
      tpu.enqueue_dma source(%dma_start3A_21 : memref<158x64xi32, #tpu.memory_space<hbm>>) target(%arg9 : memref<158x64xi32, #tpu.memory_space<vmem>>) target_semaphore(%run_scoped3A : memref<!tpu.dma_semaphore, #tpu.memory_space<semaphore_mem>>)
      %dma_wait3A = arith.constant 0 : i32
      %dma_wait3A_22 = arith.constant 0 : i32
      %dma_wait3A_23 = tpu.memref_slice %arg5[%add3A, %dma_wait3A, %dma_wait3A_22] : memref<32x158x64xi32, #tpu.memory_space<hbm>> -> memref<1x158x64xi32, #tpu.memory_space<hbm>>
      %dma_wait3A_24 = tpu.memref_squeeze %dma_wait3A_23 : memref<1x158x64xi32, #tpu.memory_space<hbm>> -> memref<158x64xi32, #tpu.memory_space<hbm>>
      %dma_wait3A_25 = arith.constant 0 : i32
      %dma_wait3A_26 = arith.constant 0 : i32
      %dma_wait3A_27 = tpu.memref_slice %arg5[%add3A, %dma_wait3A_25, %dma_wait3A_26] : memref<32x158x64xi32, #tpu.memory_space<hbm>> -> memref<1x158x64xi32, #tpu.memory_space<hbm>>
      %dma_wait3A_28 = tpu.memref_squeeze %dma_wait3A_27 : memref<1x158x64xi32, #tpu.memory_space<hbm>> -> memref<158x64xi32, #tpu.memory_space<hbm>>
      tpu.wait_dma2 semaphore(%run_scoped3A : memref<!tpu.dma_semaphore, #tpu.memory_space<semaphore_mem>>) src(%dma_wait3A_28 : memref<158x64xi32, #tpu.memory_space<hbm>>) dst(%arg9 : memref<158x64xi32, #tpu.memory_space<vmem>>)
      tpu.yield
    }) : () -> ()
    %barrier3A = arith.constant 0 : index
    tpu.barrier barrier_id(%barrier3A)
    %scan3A = arith.constant 0 : i32
    %scan3A_3 = arith.constant 0 : i32
    %scan3A_4 = arith.constant 158 : i32
    %scan3A_5 = arith.addi %scan3A_3, %scan3A_4 : i32
    %scan3A_6 = arith.constant 1 : i32
    %scan3A_7 = scf.for %scan3A_15 = %scan3A_3 to %scan3A_5 step %scan3A_6 iter_args(%scan3A_16 = %scan3A) -> (i32)  : i32 {
      "tpu.region"() ({
        %run_scoped3A = tpu.sem_alloc : memref<!tpu.dma_semaphore, #tpu.memory_space<semaphore_mem>>
        %dma_start3A = arith.constant 0 : i32
        %dma_start3A_18 = tpu.memref_slice %arg8[%scan3A_15, %dma_start3A] : memref<158x64xi32, #tpu.memory_space<vmem>> -> memref<1x64xi32, #tpu.memory_space<vmem>>
        %dma_start3A_19 = tpu.memref_squeeze %dma_start3A_18 : memref<1x64xi32, #tpu.memory_space<vmem>> -> memref<64xi32, #tpu.memory_space<vmem>>
        %dma_start3A_20 = arith.constant 0 : i32
        %dma_start3A_21 = arith.constant 0 : i32
        %dma_start3A_22 = tpu.memref_slice %arg2[%dma_start3A_20, %dma_start3A_21] : memref<10240x128xf32, #tpu.memory_space<hbm>> -> memref<10240x128xf32, #tpu.memory_space<hbm>>
        tpu.enqueue_indirect_dma source(%dma_start3A_22 : memref<10240x128xf32, #tpu.memory_space<hbm>>) target(%arg10 : memref<64x128xf32, #tpu.memory_space<vmem>>) offsets(%dma_start3A_19 : memref<64xi32, #tpu.memory_space<vmem>>) semaphore(%run_scoped3A : memref<!tpu.dma_semaphore, #tpu.memory_space<semaphore_mem>>)
        %dma_wait3A = arith.constant 0 : i32
        %dma_wait3A_23 = tpu.memref_slice %arg8[%scan3A_15, %dma_wait3A] : memref<158x64xi32, #tpu.memory_space<vmem>> -> memref<1x64xi32, #tpu.memory_space<vmem>>
        %dma_wait3A_24 = tpu.memref_squeeze %dma_wait3A_23 : memref<1x64xi32, #tpu.memory_space<vmem>> -> memref<64xi32, #tpu.memory_space<vmem>>
        %dma_wait3A_25 = arith.constant 0 : i32
        %dma_wait3A_26 = arith.constant 0 : i32
        %dma_wait3A_27 = tpu.memref_slice %arg2[%dma_wait3A_25, %dma_wait3A_26] : memref<10240x128xf32, #tpu.memory_space<hbm>> -> memref<10240x128xf32, #tpu.memory_space<hbm>>
        tpu.wait_indirect_dma semaphore(%run_scoped3A : memref<!tpu.dma_semaphore, #tpu.memory_space<semaphore_mem>>) src(%dma_wait3A_27 : memref<10240x128xf32, #tpu.memory_space<hbm>>) dst(%arg10 : memref<64x128xf32, #tpu.memory_space<vmem>>)
        tpu.yield
      }) : () -> ()
      "tpu.region"() ({
        %run_scoped3A = tpu.sem_alloc : memref<!tpu.dma_semaphore, #tpu.memory_space<semaphore_mem>>
        %dma_start3A = arith.constant 0 : i32
        %dma_start3A_18 = tpu.memref_slice %arg9[%scan3A_15, %dma_start3A] : memref<158x64xi32, #tpu.memory_space<vmem>> -> memref<1x64xi32, #tpu.memory_space<vmem>>
        %dma_start3A_19 = tpu.memref_squeeze %dma_start3A_18 : memref<1x64xi32, #tpu.memory_space<vmem>> -> memref<64xi32, #tpu.memory_space<vmem>>
        %dma_start3A_20 = arith.constant 0 : i32
        %dma_start3A_21 = arith.constant 0 : i32
        %dma_start3A_22 = tpu.memref_slice %arg7[%dma_start3A_20, %dma_start3A_21] : memref<10240x128xf32, #tpu.memory_space<vmem_shared>> -> memref<10240x128xf32, #tpu.memory_space<vmem_shared>>
        tpu.enqueue_indirect_dma source(%arg10 : memref<64x128xf32, #tpu.memory_space<vmem>>) target(%dma_start3A_22 : memref<10240x128xf32, #tpu.memory_space<vmem_shared>>) offsets(%dma_start3A_19 : memref<64xi32, #tpu.memory_space<vmem>>) semaphore(%run_scoped3A : memref<!tpu.dma_semaphore, #tpu.memory_space<semaphore_mem>>) {add = true}
        %dma_wait3A = arith.constant 0 : i32
        %dma_wait3A_23 = tpu.memref_slice %arg9[%scan3A_15, %dma_wait3A] : memref<158x64xi32, #tpu.memory_space<vmem>> -> memref<1x64xi32, #tpu.memory_space<vmem>>
        %dma_wait3A_24 = tpu.memref_squeeze %dma_wait3A_23 : memref<1x64xi32, #tpu.memory_space<vmem>> -> memref<64xi32, #tpu.memory_space<vmem>>
        %dma_wait3A_25 = arith.constant 0 : i32
        %dma_wait3A_26 = arith.constant 0 : i32
        %dma_wait3A_27 = tpu.memref_slice %arg7[%dma_wait3A_25, %dma_wait3A_26] : memref<10240x128xf32, #tpu.memory_space<vmem_shared>> -> memref<10240x128xf32, #tpu.memory_space<vmem_shared>>
        tpu.wait_indirect_dma semaphore(%run_scoped3A : memref<!tpu.dma_semaphore, #tpu.memory_space<semaphore_mem>>) src(%arg10 : memref<64x128xf32, #tpu.memory_space<vmem>>) dst(%dma_wait3A_27 : memref<10240x128xf32, #tpu.memory_space<vmem_shared>>)
        tpu.yield
      }) : () -> ()
      %scan3A_17 = arith.constant 0 : i32
      scf.yield %scan3A_17 : i32
    }
    %scan3A_8 = arith.constant 158 : i32
    %barrier3A_9 = arith.constant 0 : index
    tpu.barrier barrier_id(%barrier3A_9)
    %mul3A_10 = arith.constant 10240 : i32
    %mul3A_11 = arith.muli %arg0, %mul3A_10 : i32
    %mul3A_12 = arith.constant 640 : i32
    %mul3A_13 = arith.muli %arg1, %mul3A_12 : i32
    %add3A_14 = arith.addi %mul3A_11, %mul3A_13 : i32
    "tpu.region"() ({
      %run_scoped3A = tpu.sem_alloc : memref<!tpu.dma_semaphore, #tpu.memory_space<semaphore_mem>>
      %dma_start3A = arith.constant 0 : i32
      %dma_start3A_15 = tpu.memref_slice %arg6[%add3A_14, %dma_start3A] : memref<20480x128xf32, #tpu.memory_space<hbm>> -> memref<640x128xf32, #tpu.memory_space<hbm>>
      %dma_start3A_16 = arith.constant 0 : i32
      %dma_start3A_17 = tpu.memref_slice %arg7[%mul3A_2, %dma_start3A_16] : memref<10240x128xf32, #tpu.memory_space<vmem_shared>> -> memref<640x128xf32, #tpu.memory_space<vmem_shared>>
      tpu.enqueue_dma source(%dma_start3A_17 : memref<640x128xf32, #tpu.memory_space<vmem_shared>>) target(%dma_start3A_15 : memref<640x128xf32, #tpu.memory_space<hbm>>) target_semaphore(%run_scoped3A : memref<!tpu.dma_semaphore, #tpu.memory_space<semaphore_mem>>)
      %dma_wait3A = arith.constant 0 : i32
      %dma_wait3A_18 = tpu.memref_slice %arg6[%add3A_14, %dma_wait3A] : memref<20480x128xf32, #tpu.memory_space<hbm>> -> memref<640x128xf32, #tpu.memory_space<hbm>>
      %dma_wait3A_19 = arith.constant 0 : i32
      %dma_wait3A_20 = tpu.memref_slice %arg7[%mul3A_2, %dma_wait3A_19] : memref<10240x128xf32, #tpu.memory_space<vmem_shared>> -> memref<640x128xf32, #tpu.memory_space<vmem_shared>>
      tpu.wait_dma2 semaphore(%run_scoped3A : memref<!tpu.dma_semaphore, #tpu.memory_space<semaphore_mem>>) src(%dma_wait3A_20 : memref<640x128xf32, #tpu.memory_space<vmem_shared>>) dst(%dma_wait3A_18 : memref<640x128xf32, #tpu.memory_space<hbm>>)
      tpu.yield
    }) : () -> ()
    return
  }
}

module attributes {stable_mosaic.version = 14 : i64} {
  func.func @_tc1_body(%arg0: i32, %arg1: memref<1280x128xf32, #tpu.memory_space<vmem>>, %arg2: memref<128x128xf32, #tpu.memory_space<vmem>>, %arg3: memref<1280x1xf32, #tpu.memory_space<vmem>>, %arg4: memref<1280x128xf32, #tpu.memory_space<vmem>>) attributes {dimension_semantics = [#tpu.dimension_semantics<arbitrary>], iteration_bounds = array<i64: 8>, scalar_prefetch = 0 : i64, scratch_operands = 0 : i64, tpu.core_type = #tpu.core_type<tc>, window_params = [{transform_indices = @transform_0, window_bounds = array<i64: 1280, 128>}, {pipeline_mode = #tpu.pipeline_mode<synchronous>, transform_indices = @transform_1, window_bounds = array<i64: 128, 128>}, {transform_indices = @transform_2, window_bounds = array<i64: 1280, 1>}, {transform_indices = @transform_3, window_bounds = array<i64: 1280, 128>}]} {
    %get3A = arith.constant 0 : index
    %get3A_0 = arith.constant 0 : index
    %get3A_1 = vector.load %arg1[%get3A, %get3A_0] : memref<1280x128xf32, #tpu.memory_space<vmem>>, vector<1280x128xf32>
    %get3A_2 = arith.constant 0 : index
    %get3A_3 = arith.constant 0 : index
    %get3A_4 = vector.load %arg2[%get3A_2, %get3A_3] : memref<128x128xf32, #tpu.memory_space<vmem>>, vector<128x128xf32>
    %dot_general3A = arith.constant dense<0.000000e+00> : vector<1280x128xf32>
    %dot_general3A_5 = tpu.matmul %get3A_1, %get3A_4, %dot_general3A {dimension_numbers = #tpu.dot_dimension_numbers<[1], [0], [0], [1], [0, 0, 1, 1], [], []>, transpose_lhs_hint = false} : vector<1280x128xf32>, vector<128x128xf32>, vector<1280x128xf32> -> vector<1280x128xf32>
    %get3A_6 = arith.constant 0 : index
    %get3A_7 = arith.constant 0 : index
    %get3A_8 = vector.load %arg3[%get3A_6, %get3A_7] : memref<1280x1xf32, #tpu.memory_space<vmem>>, vector<1280x1xf32>
    %max3A = arith.constant 1.000000e+00 : f32
    %max3A_9 = vector.broadcast %max3A : f32 to vector<1280x1xf32>
    %max3A_10 = arith.maximumf %get3A_8, %max3A_9 : vector<1280x1xf32>
    %rsqrt3A = math.rsqrt %max3A_10 : vector<1280x1xf32>
    %mul3A = vector.broadcast %rsqrt3A : vector<1280x1xf32> to vector<1280x128xf32>
    %mul3A_11 = arith.mulf %dot_general3A_5, %mul3A : vector<1280x128xf32>
    %swap3A = arith.constant 0 : index
    %swap3A_12 = arith.constant 0 : index
    %swap3A_13 = vector.load %arg4[%swap3A, %swap3A_12] : memref<1280x128xf32, #tpu.memory_space<vmem>>, vector<1280x128xf32>
    tpu.vector_store %arg4[%swap3A, %swap3A_12], %mul3A_11 {strides = array<i32>} : memref<1280x128xf32, #tpu.memory_space<vmem>>, vector<1280x128xf32>,
    return
  }
  func.func @transform_0(%arg0: i32) -> (i32, i32) {
    %c0_i32 = arith.constant 0 : i32
    %c0_i32_0 = arith.constant 0 : i32
    return %arg0, %c0_i32 : i32, i32
  }
  func.func @transform_1(%arg0: i32) -> (i32, i32) {
    %c0_i32 = arith.constant 0 : i32
    %c0_i32_0 = arith.constant 0 : i32
    %c0_i32_1 = arith.constant 0 : i32
    return %c0_i32, %c0_i32_0 : i32, i32
  }
  func.func @transform_2(%arg0: i32) -> (i32, i32) {
    %c0_i32 = arith.constant 0 : i32
    %c0_i32_0 = arith.constant 0 : i32
    return %arg0, %c0_i32 : i32, i32
  }
  func.func @transform_3(%arg0: i32) -> (i32, i32) {
    %c0_i32 = arith.constant 0 : i32
    %c0_i32_0 = arith.constant 0 : i32
    return %arg0, %c0_i32 : i32, i32
  }
}

module attributes {stable_mosaic.version = 14 : i64} {
  func.func @_tc2_body(%arg0: i32, %arg1: memref<2x1280x128xf32, #tpu.memory_space<vmem>>, %arg2: memref<1280x1xf32, #tpu.memory_space<vmem>>, %arg3: memref<1280x1xf32, #tpu.memory_space<vmem>>, %arg4: memref<1x64xf32, #tpu.memory_space<vmem>>, %arg5: memref<64x128xf32, #tpu.memory_space<vmem>>, %arg6: memref<1280x128xf32, #tpu.memory_space<vmem>>) attributes {dimension_semantics = [#tpu.dimension_semantics<arbitrary>], iteration_bounds = array<i64: 8>, scalar_prefetch = 0 : i64, scratch_operands = 0 : i64, tpu.core_type = #tpu.core_type<tc>, window_params = [{transform_indices = @transform_0, window_bounds = array<i64: 2, 1280, 128>}, {transform_indices = @transform_1, window_bounds = array<i64: 1280, 1>}, {transform_indices = @transform_2, window_bounds = array<i64: 1280, 1>}, {pipeline_mode = #tpu.pipeline_mode<synchronous>, transform_indices = @transform_3, window_bounds = array<i64: 1, 64>}, {pipeline_mode = #tpu.pipeline_mode<synchronous>, transform_indices = @transform_4, window_bounds = array<i64: 64, 128>}, {transform_indices = @transform_5, window_bounds = array<i64: 1280, 128>}]} {
    %get3A = arith.constant 0 : index
    %get3A_0 = arith.constant 0 : index
    %get3A_1 = arith.constant 0 : index
    %get3A_2 = vector.load %arg1[%get3A, %get3A_0, %get3A_1] : memref<2x1280x128xf32, #tpu.memory_space<vmem>>, vector<1x1280x128xf32>
    %get3A_3 = vector.shape_cast %get3A_2 : vector<1x1280x128xf32> to vector<1280x128xf32>
    %get3A_4 = arith.constant 1 : index
    %get3A_5 = arith.constant 0 : index
    %get3A_6 = arith.constant 0 : index
    %get3A_7 = vector.load %arg1[%get3A_4, %get3A_5, %get3A_6] : memref<2x1280x128xf32, #tpu.memory_space<vmem>>, vector<1x1280x128xf32>
    %get3A_8 = vector.shape_cast %get3A_7 : vector<1x1280x128xf32> to vector<1280x128xf32>
    %add3A = arith.addf %get3A_3, %get3A_8 : vector<1280x128xf32>
    %slice3A = vector.extract_strided_slice %add3A {offsets = [0, 0], sizes = [1280, 64], strides = [1, 1]} : vector<1280x128xf32> to vector<1280x64xf32>
    %get3A_9 = arith.constant 0 : index
    %get3A_10 = arith.constant 0 : index
    %get3A_11 = vector.load %arg2[%get3A_9, %get3A_10] : memref<1280x1xf32, #tpu.memory_space<vmem>>, vector<1280x1xf32>
    %max3A = arith.constant 1.000000e+00 : f32
    %max3A_12 = vector.broadcast %max3A : f32 to vector<1280x1xf32>
    %max3A_13 = arith.maximumf %get3A_11, %max3A_12 : vector<1280x1xf32>
    %rsqrt3A = math.rsqrt %max3A_13 : vector<1280x1xf32>
    %mul3A = vector.broadcast %rsqrt3A : vector<1280x1xf32> to vector<1280x64xf32>
    %mul3A_14 = arith.mulf %slice3A, %mul3A : vector<1280x64xf32>
    %get3A_15 = arith.constant 0 : index
    %get3A_16 = arith.constant 0 : index
    %get3A_17 = vector.load %arg4[%get3A_15, %get3A_16] : memref<1x64xf32, #tpu.memory_space<vmem>>, vector<1x64xf32>
    %add3A_18 = vector.broadcast %get3A_17 : vector<1x64xf32> to vector<1280x64xf32>
    %add3A_19 = arith.addf %mul3A_14, %add3A_18 : vector<1280x64xf32>
    %max3A_20 = arith.constant 0.000000e+00 : f32
    %max3A_21 = vector.broadcast %max3A_20 : f32 to vector<1280x64xf32>
    %max3A_22 = arith.maximumf %add3A_19, %max3A_21 : vector<1280x64xf32>
    %get3A_23 = arith.constant 0 : index
    %get3A_24 = arith.constant 0 : index
    %get3A_25 = vector.load %arg5[%get3A_23, %get3A_24] : memref<64x128xf32, #tpu.memory_space<vmem>>, vector<64x128xf32>
    %dot_general3A = arith.constant dense<0.000000e+00> : vector<1280x128xf32>
    %dot_general3A_26 = tpu.matmul %max3A_22, %get3A_25, %dot_general3A {dimension_numbers = #tpu.dot_dimension_numbers<[1], [0], [0], [1], [0, 0, 1, 1], [], []>, transpose_lhs_hint = false} : vector<1280x64xf32>, vector<64x128xf32>, vector<1280x128xf32> -> vector<1280x128xf32>
    %get3A_27 = arith.constant 0 : index
    %get3A_28 = arith.constant 0 : index
    %get3A_29 = vector.load %arg3[%get3A_27, %get3A_28] : memref<1280x1xf32, #tpu.memory_space<vmem>>, vector<1280x1xf32>
    %max3A_30 = arith.constant 1.000000e+00 : f32
    %max3A_31 = vector.broadcast %max3A_30 : f32 to vector<1280x1xf32>
    %max3A_32 = arith.maximumf %get3A_29, %max3A_31 : vector<1280x1xf32>
    %rsqrt3A_33 = math.rsqrt %max3A_32 : vector<1280x1xf32>
    %mul3A_34 = vector.broadcast %rsqrt3A_33 : vector<1280x1xf32> to vector<1280x128xf32>
    %mul3A_35 = arith.mulf %dot_general3A_26, %mul3A_34 : vector<1280x128xf32>
    %swap3A = arith.constant 0 : index
    %swap3A_36 = arith.constant 0 : index
    %swap3A_37 = vector.load %arg6[%swap3A, %swap3A_36] : memref<1280x128xf32, #tpu.memory_space<vmem>>, vector<1280x128xf32>
    tpu.vector_store %arg6[%swap3A, %swap3A_36], %mul3A_35 {strides = array<i32>} : memref<1280x128xf32, #tpu.memory_space<vmem>>, vector<1280x128xf32>,
    return
  }
  func.func @transform_0(%arg0: i32) -> (i32, i32, i32) {
    %c0_i32 = arith.constant 0 : i32
    %c0_i32_0 = arith.constant 0 : i32
    %c0_i32_1 = arith.constant 0 : i32
    return %c0_i32, %arg0, %c0_i32_0 : i32, i32, i32
  }
  func.func @transform_1(%arg0: i32) -> (i32, i32) {
    %c0_i32 = arith.constant 0 : i32
    %c0_i32_0 = arith.constant 0 : i32
    return %arg0, %c0_i32 : i32, i32
  }
  func.func @transform_2(%arg0: i32) -> (i32, i32) {
    %c0_i32 = arith.constant 0 : i32
    %c0_i32_0 = arith.constant 0 : i32
    return %arg0, %c0_i32 : i32, i32
  }
  func.func @transform_3(%arg0: i32) -> (i32, i32) {
    %c0_i32 = arith.constant 0 : i32
    %c0_i32_0 = arith.constant 0 : i32
    %c0_i32_1 = arith.constant 0 : i32
    return %c0_i32, %c0_i32_0 : i32, i32
  }
  func.func @transform_4(%arg0: i32) -> (i32, i32) {
    %c0_i32 = arith.constant 0 : i32
    %c0_i32_0 = arith.constant 0 : i32
    %c0_i32_1 = arith.constant 0 : i32
    return %c0_i32, %c0_i32_0 : i32, i32
  }
  func.func @transform_5(%arg0: i32) -> (i32, i32) {
    %c0_i32 = arith.constant 0 : i32
    %c0_i32_0 = arith.constant 0 : i32
    return %arg0, %c0_i32 : i32, i32
  }
}

module attributes {stable_mosaic.version = 14 : i64} {
  func.func @_tc3_body(%arg0: i32, %arg1: memref<2x10240x128xf32, #tpu.memory_space<vmem>>, %arg2: memref<10240x1xf32, #tpu.memory_space<vmem>>, %arg3: memref<1x64xf32, #tpu.memory_space<vmem>>, %arg4: memref<64x512xf32, #tpu.memory_space<vmem>>, %arg5: memref<1x512xf32, #tpu.memory_space<vmem>>, %arg6: memref<32x512xf32, #tpu.memory_space<vmem>>, %arg7: memref<32x40xf32, #tpu.memory_space<vmem>>, %arg8: memref<1x40xf32, #tpu.memory_space<vmem>>, %arg9: memref<10000x40xf32, #tpu.memory_space<vmem>>, %arg10: memref<10240x512xf32, #tpu.memory_space<vmem>>, %arg11: memref<10240x32xf32, #tpu.memory_space<vmem>>) attributes {dimension_semantics = [#tpu.dimension_semantics<arbitrary>], iteration_bounds = array<i64: 1>, scalar_prefetch = 0 : i64, scratch_operands = 2 : i64, tpu.core_type = #tpu.core_type<tc>, window_params = [{pipeline_mode = #tpu.pipeline_mode<synchronous>, transform_indices = @transform_0, window_bounds = array<i64: 2, 10240, 128>}, {pipeline_mode = #tpu.pipeline_mode<synchronous>, transform_indices = @transform_1, window_bounds = array<i64: 10240, 1>}, {pipeline_mode = #tpu.pipeline_mode<synchronous>, transform_indices = @transform_2, window_bounds = array<i64: 1, 64>}, {pipeline_mode = #tpu.pipeline_mode<synchronous>, transform_indices = @transform_3, window_bounds = array<i64: 64, 512>}, {pipeline_mode = #tpu.pipeline_mode<synchronous>, transform_indices = @transform_4, window_bounds = array<i64: 1, 512>}, {pipeline_mode = #tpu.pipeline_mode<synchronous>, transform_indices = @transform_5, window_bounds = array<i64: 32, 512>}, {pipeline_mode = #tpu.pipeline_mode<synchronous>, transform_indices = @transform_6, window_bounds = array<i64: 32, 40>}, {pipeline_mode = #tpu.pipeline_mode<synchronous>, transform_indices = @transform_7, window_bounds = array<i64: 1, 40>}, {pipeline_mode = #tpu.pipeline_mode<synchronous>, transform_indices = @transform_8, window_bounds = array<i64: 10000, 40>}]} {
    %get3A = arith.constant 0 : index
    %get3A_0 = arith.constant 0 : index
    %get3A_1 = arith.constant 0 : index
    %get3A_2 = vector.load %arg1[%get3A, %get3A_0, %get3A_1] : memref<2x10240x128xf32, #tpu.memory_space<vmem>>, vector<1x10240x128xf32>
    %get3A_3 = vector.shape_cast %get3A_2 : vector<1x10240x128xf32> to vector<10240x128xf32>
    %get3A_4 = arith.constant 1 : index
    %get3A_5 = arith.constant 0 : index
    %get3A_6 = arith.constant 0 : index
    %get3A_7 = vector.load %arg1[%get3A_4, %get3A_5, %get3A_6] : memref<2x10240x128xf32, #tpu.memory_space<vmem>>, vector<1x10240x128xf32>
    %get3A_8 = vector.shape_cast %get3A_7 : vector<1x10240x128xf32> to vector<10240x128xf32>
    %add3A = arith.addf %get3A_3, %get3A_8 : vector<10240x128xf32>
    %slice3A = vector.extract_strided_slice %add3A {offsets = [0, 0], sizes = [10240, 64], strides = [1, 1]} : vector<10240x128xf32> to vector<10240x64xf32>
    %get3A_9 = arith.constant 0 : index
    %get3A_10 = arith.constant 0 : index
    %get3A_11 = vector.load %arg2[%get3A_9, %get3A_10] : memref<10240x1xf32, #tpu.memory_space<vmem>>, vector<10240x1xf32>
    %max3A = arith.constant 1.000000e+00 : f32
    %max3A_12 = vector.broadcast %max3A : f32 to vector<10240x1xf32>
    %max3A_13 = arith.maximumf %get3A_11, %max3A_12 : vector<10240x1xf32>
    %rsqrt3A = math.rsqrt %max3A_13 : vector<10240x1xf32>
    %mul3A = vector.broadcast %rsqrt3A : vector<10240x1xf32> to vector<10240x64xf32>
    %mul3A_14 = arith.mulf %slice3A, %mul3A : vector<10240x64xf32>
    %get3A_15 = arith.constant 0 : index
    %get3A_16 = arith.constant 0 : index
    %get3A_17 = vector.load %arg3[%get3A_15, %get3A_16] : memref<1x64xf32, #tpu.memory_space<vmem>>, vector<1x64xf32>
    %add3A_18 = vector.broadcast %get3A_17 : vector<1x64xf32> to vector<10240x64xf32>
    %add3A_19 = arith.addf %mul3A_14, %add3A_18 : vector<10240x64xf32>
    %max3A_20 = arith.constant 0.000000e+00 : f32
    %max3A_21 = vector.broadcast %max3A_20 : f32 to vector<10240x64xf32>
    %max3A_22 = arith.maximumf %add3A_19, %max3A_21 : vector<10240x64xf32>
    %get3A_23 = arith.constant 0 : index
    %get3A_24 = arith.constant 0 : index
    %get3A_25 = vector.load %arg4[%get3A_23, %get3A_24] : memref<64x512xf32, #tpu.memory_space<vmem>>, vector<64x512xf32>
    %dot_general3A = arith.constant dense<0.000000e+00> : vector<10240x512xf32>
    %dot_general3A_26 = tpu.matmul %max3A_22, %get3A_25, %dot_general3A {dimension_numbers = #tpu.dot_dimension_numbers<[1], [0], [0], [1], [0, 0, 1, 1], [], []>, transpose_lhs_hint = false} : vector<10240x64xf32>, vector<64x512xf32>, vector<10240x512xf32> -> vector<10240x512xf32>
    %get3A_27 = arith.constant 0 : index
    %get3A_28 = arith.constant 0 : index
    %get3A_29 = vector.load %arg5[%get3A_27, %get3A_28] : memref<1x512xf32, #tpu.memory_space<vmem>>, vector<1x512xf32>
    %add3A_30 = vector.broadcast %get3A_29 : vector<1x512xf32> to vector<10240x512xf32>
    %add3A_31 = arith.addf %dot_general3A_26, %add3A_30 : vector<10240x512xf32>
    %swap3A = arith.constant 0 : index
    %swap3A_32 = arith.constant 0 : index
    %swap3A_33 = vector.load %arg10[%swap3A, %swap3A_32] : memref<10240x512xf32, #tpu.memory_space<vmem>>, vector<10240x512xf32>
    tpu.vector_store %arg10[%swap3A, %swap3A_32], %add3A_31 {strides = array<i32>} : memref<10240x512xf32, #tpu.memory_space<vmem>>, vector<10240x512xf32>,
    %get3A_34 = arith.constant 0 : index
    %get3A_35 = arith.constant 0 : index
    %get3A_36 = vector.load %arg6[%get3A_34, %get3A_35] : memref<32x512xf32, #tpu.memory_space<vmem>>, vector<32x512xf32>
    %convert_element_type3A = arith.truncf %get3A_36 : vector<32x512xf32> to vector<32x512xbf16>
    %broadcast_in_dim3A = arith.constant 0.000000e+00 : bf16
    %broadcast_in_dim3A_37 = vector.broadcast %broadcast_in_dim3A : bf16 to vector<1x32xbf16>
    %broadcast_in_dim3A_38 = arith.constant 0.000000e+00 : f32
    %broadcast_in_dim3A_39 = vector.broadcast %broadcast_in_dim3A_38 : f32 to vector<1x32xf32>
    %scan3A = arith.constant 0 : i32
    %scan3A_40 = arith.constant 10000 : i32
    %scan3A_41 = arith.addi %scan3A, %scan3A_40 : i32
    %scan3A_42 = arith.constant 1 : i32
    %scan3A_43:2 = scf.for %scan3A_61 = %scan3A to %scan3A_41 step %scan3A_42 iter_args(%scan3A_62 = %broadcast_in_dim3A_37, %scan3A_63 = %broadcast_in_dim3A_39) -> (vector<1x32xbf16>, vector<1x32xf32>)  : i32 {
      %get3A_64 = arith.index_cast %scan3A_61 : i32 to index
      %get3A_65 = arith.constant 0 : index
      %get3A_66 = vector.load %arg10[%get3A_64, %get3A_65] : memref<10240x512xf32, #tpu.memory_space<vmem>>, vector<1x512xf32>
      %dot_general3A_67 = arith.constant dense<0.000000e+00> : vector<1x512xf32>
      %dot_general3A_68 = tpu.matmul %scan3A_62, %convert_element_type3A, %dot_general3A_67 {dimension_numbers = #tpu.dot_dimension_numbers<[1], [0], [0], [1], [0, 0, 1, 1], [], []>, transpose_lhs_hint = false} : vector<1x32xbf16>, vector<32x512xbf16>, vector<1x512xf32> -> vector<1x512xf32>
      %add3A_69 = arith.addf %get3A_66, %dot_general3A_68 : vector<1x512xf32>
      %slice3A_70 = vector.extract_strided_slice %add3A_69 {offsets = [0, 0], sizes = [1, 32], strides = [1, 1]} : vector<1x512xf32> to vector<1x32xf32>
      %mul3A_71 = arith.constant 5.000000e-01 : f32
      %mul3A_72 = vector.broadcast %mul3A_71 : f32 to vector<1x32xf32>
      %mul3A_73 = arith.mulf %mul3A_72, %slice3A_70 : vector<1x32xf32>
      %tanh3A = math.tanh %mul3A_73 : vector<1x32xf32>
      %mul3A_74 = arith.constant 5.000000e-01 : f32
      %mul3A_75 = vector.broadcast %mul3A_74 : f32 to vector<1x32xf32>
      %mul3A_76 = arith.mulf %mul3A_75, %tanh3A : vector<1x32xf32>
      %add3A_77 = arith.constant 5.000000e-01 : f32
      %add3A_78 = vector.broadcast %add3A_77 : f32 to vector<1x32xf32>
      %add3A_79 = arith.addf %add3A_78, %mul3A_76 : vector<1x32xf32>
      %slice3A_80 = vector.extract_strided_slice %add3A_69 {offsets = [0, 128], sizes = [1, 32], strides = [1, 1]} : vector<1x512xf32> to vector<1x32xf32>
      %mul3A_81 = arith.constant 5.000000e-01 : f32
      %mul3A_82 = vector.broadcast %mul3A_81 : f32 to vector<1x32xf32>
      %mul3A_83 = arith.mulf %mul3A_82, %slice3A_80 : vector<1x32xf32>
      %tanh3A_84 = math.tanh %mul3A_83 : vector<1x32xf32>
      %mul3A_85 = arith.constant 5.000000e-01 : f32
      %mul3A_86 = vector.broadcast %mul3A_85 : f32 to vector<1x32xf32>
      %mul3A_87 = arith.mulf %mul3A_86, %tanh3A_84 : vector<1x32xf32>
      %add3A_88 = arith.constant 5.000000e-01 : f32
      %add3A_89 = vector.broadcast %add3A_88 : f32 to vector<1x32xf32>
      %add3A_90 = arith.addf %add3A_89, %mul3A_87 : vector<1x32xf32>
      %slice3A_91 = vector.extract_strided_slice %add3A_69 {offsets = [0, 256], sizes = [1, 32], strides = [1, 1]} : vector<1x512xf32> to vector<1x32xf32>
      %tanh3A_92 = math.tanh %slice3A_91 : vector<1x32xf32>
      %slice3A_93 = vector.extract_strided_slice %add3A_69 {offsets = [0, 384], sizes = [1, 32], strides = [1, 1]} : vector<1x512xf32> to vector<1x32xf32>
      %mul3A_94 = arith.constant 5.000000e-01 : f32
      %mul3A_95 = vector.broadcast %mul3A_94 : f32 to vector<1x32xf32>
      %mul3A_96 = arith.mulf %mul3A_95, %slice3A_93 : vector<1x32xf32>
      %tanh3A_97 = math.tanh %mul3A_96 : vector<1x32xf32>
      %mul3A_98 = arith.constant 5.000000e-01 : f32
      %mul3A_99 = vector.broadcast %mul3A_98 : f32 to vector<1x32xf32>
      %mul3A_100 = arith.mulf %mul3A_99, %tanh3A_97 : vector<1x32xf32>
      %add3A_101 = arith.constant 5.000000e-01 : f32
      %add3A_102 = vector.broadcast %add3A_101 : f32 to vector<1x32xf32>
      %add3A_103 = arith.addf %add3A_102, %mul3A_100 : vector<1x32xf32>
      %mul3A_104 = arith.mulf %add3A_90, %scan3A_63 : vector<1x32xf32>
      %mul3A_105 = arith.mulf %add3A_79, %tanh3A_92 : vector<1x32xf32>
      %add3A_106 = arith.addf %mul3A_104, %mul3A_105 : vector<1x32xf32>
      %tanh3A_107 = math.tanh %add3A_106 : vector<1x32xf32>
      %mul3A_108 = arith.mulf %add3A_103, %tanh3A_107 : vector<1x32xf32>
      %swap3A_109 = arith.index_cast %scan3A_61 : i32 to index
      %swap3A_110 = arith.constant 0 : index
      %swap3A_111 = vector.load %arg11[%swap3A_109, %swap3A_110] : memref<10240x32xf32, #tpu.memory_space<vmem>>, vector<1x32xf32>
      tpu.vector_store %arg11[%swap3A_109, %swap3A_110], %mul3A_108 {strides = array<i32>} : memref<10240x32xf32, #tpu.memory_space<vmem>>, vector<1x32xf32>,
      %convert_element_type3A_112 = arith.truncf %mul3A_108 : vector<1x32xf32> to vector<1x32xbf16>
      scf.yield %convert_element_type3A_112, %add3A_106 : vector<1x32xbf16>, vector<1x32xf32>
    }
    %scan3A_44 = arith.constant 10000 : i32
    %get3A_45 = arith.constant 0 : index
    %get3A_46 = arith.constant 0 : index
    %get3A_47 = vector.load %arg11[%get3A_45, %get3A_46] : memref<10240x32xf32, #tpu.memory_space<vmem>>, vector<10000x32xf32>
    %get3A_48 = arith.constant 0 : index
    %get3A_49 = arith.constant 0 : index
    %get3A_50 = vector.load %arg7[%get3A_48, %get3A_49] : memref<32x40xf32, #tpu.memory_space<vmem>>, vector<32x40xf32>
    %dot_general3A_51 = arith.constant dense<0.000000e+00> : vector<10000x40xf32>
    %dot_general3A_52 = tpu.matmul %get3A_47, %get3A_50, %dot_general3A_51 {dimension_numbers = #tpu.dot_dimension_numbers<[1], [0], [0], [1], [0, 0, 1, 1], [], []>, transpose_lhs_hint = false} : vector<10000x32xf32>, vector<32x40xf32>, vector<10000x40xf32> -> vector<10000x40xf32>
    %get3A_53 = arith.constant 0 : index
    %get3A_54 = arith.constant 0 : index
    %get3A_55 = vector.load %arg8[%get3A_53, %get3A_54] : memref<1x40xf32, #tpu.memory_space<vmem>>, vector<1x40xf32>
    %add3A_56 = vector.broadcast %get3A_55 : vector<1x40xf32> to vector<10000x40xf32>
    %add3A_57 = arith.addf %dot_general3A_52, %add3A_56 : vector<10000x40xf32>
    %swap3A_58 = arith.constant 0 : index
    %swap3A_59 = arith.constant 0 : index
    %swap3A_60 = vector.load %arg9[%swap3A_58, %swap3A_59] : memref<10000x40xf32, #tpu.memory_space<vmem>>, vector<10000x40xf32>
    tpu.vector_store %arg9[%swap3A_58, %swap3A_59], %add3A_57 {strides = array<i32>} : memref<10000x40xf32, #tpu.memory_space<vmem>>, vector<10000x40xf32>,
    return
  }
  func.func @transform_0(%arg0: i32) -> (i32, i32, i32) {
    %c0_i32 = arith.constant 0 : i32
    %c0_i32_0 = arith.constant 0 : i32
    %c0_i32_1 = arith.constant 0 : i32
    %c0_i32_2 = arith.constant 0 : i32
    return %c0_i32, %c0_i32_0, %c0_i32_1 : i32, i32, i32
  }
  func.func @transform_1(%arg0: i32) -> (i32, i32) {
    %c0_i32 = arith.constant 0 : i32
    %c0_i32_0 = arith.constant 0 : i32
    %c0_i32_1 = arith.constant 0 : i32
    return %c0_i32, %c0_i32_0 : i32, i32
  }
  func.func @transform_2(%arg0: i32) -> (i32, i32) {
    %c0_i32 = arith.constant 0 : i32
    %c0_i32_0 = arith.constant 0 : i32
    %c0_i32_1 = arith.constant 0 : i32
    return %c0_i32, %c0_i32_0 : i32, i32
  }
  func.func @transform_3(%arg0: i32) -> (i32, i32) {
    %c0_i32 = arith.constant 0 : i32
    %c0_i32_0 = arith.constant 0 : i32
    %c0_i32_1 = arith.constant 0 : i32
    return %c0_i32, %c0_i32_0 : i32, i32
  }
  func.func @transform_4(%arg0: i32) -> (i32, i32) {
    %c0_i32 = arith.constant 0 : i32
    %c0_i32_0 = arith.constant 0 : i32
    %c0_i32_1 = arith.constant 0 : i32
    return %c0_i32, %c0_i32_0 : i32, i32
  }
  func.func @transform_5(%arg0: i32) -> (i32, i32) {
    %c0_i32 = arith.constant 0 : i32
    %c0_i32_0 = arith.constant 0 : i32
    %c0_i32_1 = arith.constant 0 : i32
    return %c0_i32, %c0_i32_0 : i32, i32
  }
  func.func @transform_6(%arg0: i32) -> (i32, i32) {
    %c0_i32 = arith.constant 0 : i32
    %c0_i32_0 = arith.constant 0 : i32
    %c0_i32_1 = arith.constant 0 : i32
    return %c0_i32, %c0_i32_0 : i32, i32
  }
  func.func @transform_7(%arg0: i32) -> (i32, i32) {
    %c0_i32 = arith.constant 0 : i32
    %c0_i32_0 = arith.constant 0 : i32
    %c0_i32_1 = arith.constant 0 : i32
    return %c0_i32, %c0_i32_0 : i32, i32
  }
  func.func @transform_8(%arg0: i32) -> (i32, i32) {
    %c0_i32 = arith.constant 0 : i32
    %c0_i32_0 = arith.constant 0 : i32
    %c0_i32_1 = arith.constant 0 : i32
    return %c0_i32, %c0_i32_0 : i32, i32
  }
}

</mosaic_0001>

<sc_bundles>
// kernel: kernel.11.cloned.1.call-start
scs
__scs_entry_jumppad:
0x0: {  	(pc) =	sbr.rel $0x88, $3  }
0x1: {  	(tag) =	ssettag $0x0;
	lr =	simm.s32 $0x1  }
0x2: {  	[smem:$0x3F95] =	sst lr;
	_ =	strace $0xD0000000  }
0x3: {  	_ = 	snop  }
0x4: {  	_ = 	snop  }
0x5: {  	_ = 	snop  }
0x6: {  	_ = 	snop  }
0x7: {  	_ = 	snop  }
__scs_overlays_trampoline_lowered:
0x8: {  	[smem:$0x3FA4] =	sst s0  }
0x9: {  	[smem:$0x3FA5] =	sst s1  }
0xa: {  	[smem:$0x3FA6] =	sst s2  }
0xb: {  	[smem:$0x3FA7] =	sst s3  }
0xc: {  	[smem:$0x3FA8] =	sst s4  }
0xd: {  	[smem:$0x3FA9] =	sst s5  }
0xe: {  	[smem:$0x3FAA] =	sst s6  }
0xf: {  	[smem:$0x3FAB] =	sst s7  }
0x10: {  	[smem:$0x3FAC] =	sst s8  }
0x11: {  	[smem:$0x3FAD] =	sst s9;
	s0 =	simm.s32 @!p0 $0x0  }
0x12: {  	s1 =	sld [smem:$0x3F93];
	s0 =	simm.s32 @p0 $0x1  }
0x13: {  	[smem:$0x3FAE] =	sst s0;
	s0 =	simm.s32 @!p1 $0x0  }
0x14: {  	s2 =	sld [smem:$0x3F92];
	s0 =	simm.s32 @p1 $0x1  }
0x15: {  	[smem:$0x3FAF] =	sst s0;
	s0 =	simm.s32 @!p2 $0x0  }
0x16: {  	s3 =	sld [smem:$0x3FDB];
	s0 =	simm.s32 @p2 $0x1  }
0x17: {  	s4 =	simm.s32 $0x1BF5;
	[smem:$0x3FB1] =	sst s0  }
0x18: {  	s0 =	sld [smem:$0x3F94];
	_ =	swait.ge [sflag:s4], $0x0  }
0x19: {  	s7 =	sld [smem:$0x3F95]  }
0x1a: {  	s8 =	sadd.s32 $0xFFFFE003, lr  }
0x1b: {  	s9 =	sadd.s32 $0xFFFFFEF7, lr;
	s5 =	simm.s32 $0xFFFFFFFF;
	p2 =	slt.u32 s8, $0xFFFFF086  }
0x1c: {  	p1 =	slt.u32 s9, $0xF7A;
	s5 =	simm.s32 @!p2 $0x0  }
0x1d: {  	s5 =	simm.s32 @p1 $0x1;
	p0 =	seq.s32 s7, s2  }
0x1e: {  	s7 =	smul.u32 @!p0 $0xF7A, s2;
	p2 =	seq.s32 @!p0 s5, $0x0  }
0x1f: {  	s9 =	smul.u32 $0xF7A, s1;
	s8 =	simm.s32 @!p0 $0x1BF5;
	p2 =	por !p2, p0  }
0x20: {  	[sflag:s8] =	ssyncset.s32 @!p0 $0xFFFFF086;
	s6 =	sadd.s32 @!p0 s3, s7;
	s7 =	simm.s32 @!p0 $0x108  }
0x21: {  	s3 =	sadd.s32 s3, s9;
	s6 =	sadd.s32 @!p0 $0x88, s6;
	s7 =	simm.s32 @p2 $0x1082  }
0x22: {  	[simem:s7], [sflag:s8] =	dma.local @!p0 [hbm:s6], $0xF7A  }
0x23: {  	s9 =	sor.u32 $0xD0000000, s2;
	s6 =	simm.s32 $0x108;
	_ =	swait.ge @!p0 [sflag:s8], $0x0  }
0x24: {  	s3 =	sadd.s32 $0x88, s3;
	s6 =	simm.s32 @!p1 $0x1082;
	[sflag:s4] =	ssyncset.s32 $0xFFFFF086  }
0x25: {  	[simem:s6], [sflag:s4] =	dma.local [hbm:s3], $0xF7A  }
0x26: {  	[smem:$0x3F95] =	sst s1;
	(tag) =	ssettag s2;
	_ =	strace s9  }
0x27: {  	s1 =	sld [smem:$0x3FA5]  }
0x28: {  	s2 =	sld [smem:$0x3FA6]  }
0x29: {  	s4 =	sld [smem:$0x3FA8]  }
0x2a: {  	p0 =	seq.s32 s5, $0x0;
	s5 =	sld [smem:$0x3FA9]  }
0x2b: {  	s6 =	sld [smem:$0x3FAA]  }
0x2c: {  	s7 =	sld [smem:$0x3FAB]  }
0x2d: {  	s3 =	simm.s32 $0x108;
	s8 =	sld [smem:$0x3FAC]  }
0x2e: {  	s3 =	simm.s32 @!p0 $0x1082;
	s9 =	sld [smem:$0x3FAD]  }
0x2f: {  	lr =	sadd.s32 s0, s3;
	s0 =	sld [smem:$0x3FA4]  }
0x30: {  	s3 =	sld [smem:$0x3FA7]  }
0x31: {  	[smem:$0x3FB0] =	sst s10  }
0x32: {  	s10 =	sld [smem:$0x3FAE];
	_ =	sdelay $0x3  }
0x33: {  	p0 =	seq.s32 s10, $0x1;
	s10 =	sld [smem:$0x3FB0];
	_ =	sdelay $0x3  }
0x34: {  	[smem:$0x3FB0] =	sst s10  }
0x35: {  	s10 =	sld [smem:$0x3FAF];
	_ =	sdelay $0x3  }
0x36: {  	p1 =	seq.s32 s10, $0x1;
	s10 =	sld [smem:$0x3FB0];
	_ =	sdelay $0x3  }
0x37: {  	[smem:$0x3FB0] =	sst s10  }
0x38: {  	s10 =	sld [smem:$0x3FB1]  }
0x39: {  	_ = 	snop;
	(pc) =	sbr.ind lr, $3  }
0x3a: {  	_ = 	snop  }
0x3b: {  	_ = 	snop  }
0x3c: {  	p2 =	seq.s32 s10, $0x1;
	s10 =	sld [smem:$0x3FB0]  }
0x3d: {  	_ =	shalt  }
0x3e: {  	_ =	shalt  }
0x3f: {  	_ =	shalt  }
0x40: {  	_ =	shalt  }
0x41: {  	_ =	shalt  }
0x42: {  	_ =	shalt  }
0x43: {  	_ =	shalt  }
0x44: {  	_ =	shalt  }
0x45: {  	_ =	shalt  }
0x46: {  	_ =	shalt  }
0x47: {  	_ =	shalt  }
0x48: {  	_ =	shalt  }
0x49: {  	_ =	shalt  }
0x4a: {  	_ =	shalt  }
0x4b: {  	_ =	shalt  }
0x4c: {  	_ =	shalt  }
0x4d: {  	_ =	shalt  }
0x4e: {  	_ =	shalt  }
0x4f: {  	_ =	shalt  }
0x50: {  	_ =	shalt  }
0x51: {  	_ =	shalt  }
0x52: {  	_ =	shalt  }
0x53: {  	_ =	shalt  }
0x54: {  	_ =	shalt  }
0x55: {  	_ =	shalt  }
0x56: {  	_ =	shalt  }
0x57: {  	_ =	shalt  }
0x58: {  	_ =	shalt  }
0x59: {  	_ =	shalt  }
0x5a: {  	_ =	shalt  }
0x5b: {  	_ =	shalt  }
0x5c: {  	_ =	shalt  }
0x5d: {  	_ =	shalt  }
0x5e: {  	_ =	shalt  }
0x5f: {  	_ =	shalt  }
0x60: {  	_ =	shalt  }
0x61: {  	_ =	shalt  }
0x62: {  	_ =	shalt  }
0x63: {  	_ =	shalt  }
0x64: {  	_ =	shalt  }
0x65: {  	_ =	shalt  }
0x66: {  	_ =	shalt  }
0x67: {  	_ =	shalt  }
0x68: {  	_ =	shalt  }
0x69: {  	_ =	shalt  }
0x6a: {  	_ =	shalt  }
0x6b: {  	_ =	shalt  }
0x6c: {  	_ =	shalt  }
0x6d: {  	_ =	shalt  }
0x6e: {  	_ =	shalt  }
0x6f: {  	_ =	shalt  }
0x70: {  	_ =	shalt  }
0x71: {  	_ =	shalt  }
0x72: {  	_ =	shalt  }
0x73: {  	_ =	shalt  }
0x74: {  	_ =	shalt  }
0x75: {  	_ =	shalt  }
0x76: {  	_ =	shalt  }
0x77: {  	_ =	shalt  }
0x78: {  	_ =	shalt  }
0x79: {  	_ =	shalt  }
0x7a: {  	_ =	shalt  }
0x7b: {  	_ =	shalt  }
0x7c: {  	_ =	shalt  }
0x7d: {  	_ =	shalt  }
0x7e: {  	_ =	shalt  }
0x7f: {  	_ =	shalt  }
0x80: {  	_ =	shalt  }
0x81: {  	_ =	shalt  }
0x82: {  	_ =	shalt  }
0x83: {  	_ =	shalt  }
0x84: {  	_ =	shalt  }
0x85: {  	_ =	shalt  }
0x86: {  	_ =	shalt  }
0x87: {  	_ =	shalt  }
.Lfunc_end0:
.L_simem_size_0:
called_computation.1_lowered:
.L_overlay_start_0:
0x88: {  	s2 =	sld [smem:$0x3FD9]  }
0x89: {  	s3 =	sld [smem:$0x3FFE];
	_ =	sdelay $0x1  }
0x8a: {  	s1 =	srdreg.scid  }
0x8b: {  	s0 =	sand.u32 $0x1, s1  }
0x8c: {  	s16 =	sshll.u32 s0, $0xA;
	s2 =	sadd.s32 s3, s2  }
0x8d: {  	s2 =	sadd.s32 s2, s16  }
0x8e: {  	[smem:$0x3FBC] =	sst s2  }
0x8f: {  	_ = 	snop  }
0x90: {  	(tm) =	ssettm $0x1  }
0x91: {  	s17 =	sld [smem:$0x3FFB];
	_ =	sdelay $0x3  }
0x92: {  	_ =	strace s17  }
0x93: {  	s2 =	sld [smem:$0x3FFC];
	_ =	sdelay $0x3  }
0x94: {  	_ =	strace s2  }
0x95: {  	s2 =	sld [smem:$0x3FFD];
	_ =	sdelay $0x3  }
0x96: {  	_ =	strace s2  }
0x97: {  	_ =	strace $0x8FFFFFFF  }
0x98: {  	s18 =	sld [smem:$0x3FDB];
	_ =	sdelay $0x1  }
0x99: {  	s19 =	simm.s32 $_scs_section_size  }
0x9a: {  	s4 =	simm.s32 $_size__tile_overlayer_lowered;
	s5 =	simm.s32 $_tile_overlayer_lowered  }
0x9b: {  	s22 =	simm.s32 $0x1BFF;
	s21 =	sshll.u32 s5, $0x1;
	s2 =	sadd.s32 s19, s18  }
0x9c: {  	s6 =	simm.s32 $0x0;
	s20 =	sshll.u32 s4, $0x1;
	s4 =	sadd.s32 s21, s2  }
0x9d: {  	[timem:s6], [sflag:s22] =	dma.local [hbm:s4], s20  }
0x9e: {  	_ =	swait.ge [sflag:s22], s20  }
0x9f: {  	s3 =	ssub.s32 $0x0, s20;
	[sflag:s22] =	ssyncset.done $0x0  }
0xa0: {  	[sflag:s22] =	ssyncadd.s32 s3;
	_ =	sdelay $0x1  }
0xa1: {  	s23 =	simm.s32 $0x1B8B  }
0xa2: {  	_ =	swait.ge [sflag:s23], $0x1  }
0xa3: {  	[sflag:s23] =	ssyncset.done $0x0  }
0xa4: {  	s25 =	simm.s32 $0x1B8E;
	s24 =	sld [smem:$0x3FFE];
	[sflag:s23] =	ssyncadd.s32 $0xFFFFFFFF  }
0xa5: {  	s26 =	simm.s32 $execute0_lowered;
	[smem:$0x3FD2] =	sst s25  }
0xa6: {  	s4 =	sshll.u32 s26, $0x1;
	_ =	strace $0x80000049;
	[dreg:$0x1] =	wrdreg $0xFFFFFFFF  }
0xa7: {  	s28 =	simm.s32 $_size_execute0_lowered;
	s2 =	sadd.s32 s2, s4;
	[dreg:$0x0] =	wrdreg $0x0  }
0xa8: {  	s4 =	sshll.u32 s28, $0x1;
	[dreg:$0x2] =	wrdreg s2  }
0xa9: {  	[dreg:$0x3] =	wrdreg s4  }
0xaa: {  	[dreg:$0x4] =	wrdreg $0xC0  }
0xab: {  	_ =	task [dreg:s6], $0x5FFFF  }
0xac: {  	[dreg:$0x1] =	wrdreg $0xFFFFFFFF  }
0xad: {  	[dreg:$0x0] =	wrdreg $0x60  }
0xae: {  	[dreg:$0x2] =	wrdreg s24  }
0xaf: {  	[dreg:$0x3] =	wrdreg $0x0  }
0xb0: {  	[dreg:$0x4] =	wrdreg $0x9  }
0xb1: {  	_ =	task.clear_ibuf [dreg:s6], $0x5FFFF;
	_ =	strace $0x90000049  }
0xb2: {  	s29 =	simm.s32 $0x9;
	_ =	strace $0x8000004B  }
0xb3: {  	_ =	swait.ge [sflag:s29], $0x1  }
0xb4: {  	[sflag:s29] =	ssyncadd.s32 $0xFFFFFFFF  }
0xb5: {  	_ =	strace $0x9000004B  }
0xb6: {  	_ =	sfence  }
0xb7: {  	s30 =	sld [smem:$0x0];
	_ =	sdelay $0x2  }
0xb8: {  	s31 =	sshll.u32 s1, $0xD;
	s1 =	sshrl.u32 s1, $0x2  }
0xb9: {  	s3 =	sand.u32 $0x4000, s31;
	s1 =	sadd.s32 s1, s30  }
0xba: {  	s0 =	sor.u32 s3, s0;
	s1 =	sshll.u32 s1, $0x11  }
0xbb: {  	s0 =	sor.u32 s1, s0  }
0xbc: {  	s0 =	sadd.s32 $0x8F2B, s0  }
0xbd: {  	[sflag:s0] =	ssyncadd.remote.s32 $0x1  }
0xbe: {  	_ =	sfence.sel $0xFFFF  }
0xbf: {  	[dreg:$0x0] =	wrdreg $0xFFFFFFFF;
	(pc) =	sbr.abs _section_cstart, $3  }
0xc0: {  	[dreg:$0x1] =	wrdreg $0xFFFFFFFF  }
0xc1: {  	_ =	task.clear_ibuf [dreg:s6], $0x2FFFF;
	_ =	strace $0x9FFFFFFF  }
0xc2: {  	(tm) =	ssettm $0x7FFFFFFF  }
0xc3: {  	_ =	shalt  }
tec
execute0_lowered:
.L_overlay_start_1:
0x0: {  	(tag) =	ssettag $0x1  }
0x1: {  	s5 =	rddreg [dreg:$0x0]  }
0x2: {  	s0 =	srdreg.scid;
	s2 =	rddreg [dreg:$0x1]  }
0x3: {  	s1 =	stileid.u32;
	s3 =	simm.s32 $0x0;
	s14 =	simm.s32 $0x19000  }
0x4: {  	s15 =	simm.s32 $0x40;
	s16 =	simm.s32 $0x1E000;
	s17 =	simm.s32 $0x0  }
0x5: {  	s6 =	sand.u32 $0x1, s0;
	s0 =	rddreg [dreg:$0x2];
	s7 =	smul.u32 $0x2800, s1  }
0x6: {  	[smem:$0x7FF] =	sst s3;
	s11 =	smul.u32 $0x50000, s1;
	s31 =	sshll.u32 s1, $0x6  }
0x7: {  	s4 =	sshll.u32 s6, $0x4;
	_ =	strace $0x8000004A;
	s9 =	smul.u32 $0x28000, s6  }
0x8: {  	s6 =	ssub.s32 $0x2, s6;
	s4 =	sor.u32 s1, s4;
	s10 =	sadd.s32 s7, s5  }
0x9: {  	s29 =	sshrl.u32 s6, $0x1;
	s30 =	sshrl.u32 s11, $0x2;
	s8 =	smul.u32 $0xA00, s4  }
0xa: {  	s4 =	sadd.s32 $0x3600, s5;
	s7 =	sadd.s32 s7, s9;
	s13 =	ssub.s32 s6, s29  }
0xb: {  	s11 =	sadd.s32 s30, s2;
	s6 =	sor.u32 $0x1C01, s31;
	s12 =	sadd.s32 s7, s5  }
0xc: {  	s11 =	sshrl.u32 s11, $0x3;
	s8 =	sadd.s32 s8, s5;
	s5 =	sadd.s32 $0x53600, s10  }
0xd: {  	s9 =	sadd.s32 $0x7B600, s12;
	s10 =	smax.u32 s13, $0x1;
	s12 =	simm.s32 $0x1  }
0xe: {  	s13 =	simm.s32 $0x14000;
	s7 =	sadd.s32 $0x2B600, s8;
	s8 =	sadd.s32 $0x3F600, s8  }
.LBB2_1:
0xf: {  	[spmem:s11], [sflag:s6] =	dma.local [hbm:s5], $0x2800  }
0x10: {  	_ =	swait.ge [sflag:s12], $0x2800  }
0x11: {  	[sflag:s12] =	ssyncset.done $0x0  }
0x12: {  	[sflag:s12] =	ssyncadd.s32 $0xFFFFD800  }
0x13: {  	[tilespmem:s13], [sflag:$0x1] =	stream.linear.gather [hbm4b:s7+s3], $0x4F00, $0x38;
	v63 =	vld [tilespmem:$0x0]  }
0x14: {  	_ =	swait.ge [sflag:s12], $0x4F00  }
0x15: {  	[sflag:s12] =	ssyncset.done $0x0  }
0x16: {  	[sflag:s12] =	ssyncadd.s32 $0xFFFFB100  }
0x17: {  	[tilespmem:s14], [sflag:$0x1] =	stream.linear.gather [hbm4b:s8+s3], $0x4F00, $0x38;
	v63 =	vld [tilespmem:$0x0]  }
0x18: {  	_ =	swait.ge [sflag:s12], $0x4F00  }
0x19: {  	[sflag:s12] =	ssyncset.done $0x0  }
0x1a: {  	[sflag:s12] =	ssyncadd.s32 $0xFFFFB100  }
0x1b: {  	s18 =	simm.s32 $0x14000;
	[bflag:$0x0] =	sbarrier.arrive $0xFFFF  }
0x1c: {  	[tilespmem:s16], [sflag:$0x1] =	stream.indirect.gather [hbm4b:s4+s15], $0x80, s18, s15, $0xb8;
	v63 =	vld [tilespmem:$0x0]  }
0x1d: {  	_ =	swait.ge [sflag:s12], $0x2000  }
0x1e: {  	[sflag:s12] =	ssyncset.done $0x0  }
0x1f: {  	s31 =	simm.s32 $0x19000;
	[sflag:s12] =	ssyncadd.s32 $0xFFFFE000  }
0x20: {  	[spmem:s2] =	stream.indirect.scatter.add.f32 [tilespmem:s16], [sflag:$0x1], $0x80, s31, s15, $0xb8;
	v63 =	vld [tilespmem:$0x0]  }
0x21: {  	_ =	swait.ge [sflag:s12], $0x2000  }
0x22: {  	s19 =	simm.s32 $0x400;
	s18 =	simm.s32 $0x80;
	[sflag:s12] =	ssyncset.done $0x0  }
.LBB2_2:
0x23: {  	s20 =	sadd.s32 $0x14000, s18  }
0x24: {  	[sflag:s12] =	ssyncadd.s32 $0xFFFFE000;
	s21 =	smov.u32 s19;
	s22 =	sadd.s32 $0x200, s19  }
0x25: {  	[tilespmem:s16], [sflag:$0x1] =	stream.indirect.gather [hbm4b:s4+s15], $0x80, s20, s15, $0xb8;
	v63 =	vld [tilespmem:$0x0]  }
0x26: {  	p0 =	sne.s32 s19, $0x13A00;
	_ =	swait.ge [sflag:s12], $0x2000  }
.Ltmp0:
0x27: {  	[sflag:s12] =	ssyncset.done $0x0;
	(pc) =	sbr.rel @p0 .LBB2_2-.Ltmp0, $4  }
0x28: {  	s18 =	sadd.s32 $0x19000, s18;
	[sflag:s12] =	ssyncadd.s32 $0xFFFFE000  }
0x29: {  	[spmem:s2] =	stream.indirect.scatter.add.f32 [tilespmem:s16], [sflag:$0x1], $0x80, s18, s15, $0xb8;
	v63 =	vld [tilespmem:$0x0]  }
0x2a: {  	_ =	swait.ge [sflag:s12], $0x2000  }
0x2b: {  	s19 =	smov.u32 s22;
	s18 =	sshra.s32 s21, $0x2;
	[sflag:s12] =	ssyncset.done $0x0  }
0x2c: {  	s19 =	sadd.s32 $0x14000, s18;
	[sflag:s12] =	ssyncadd.s32 $0xFFFFE000  }
0x2d: {  	[tilespmem:s16], [sflag:$0x1] =	stream.indirect.gather [hbm4b:s4+s15], $0x80, s19, s15, $0xb8;
	v63 =	vld [tilespmem:$0x0]  }
0x2e: {  	_ =	swait.ge [sflag:s12], $0x2000  }
0x2f: {  	[sflag:s12] =	ssyncset.done $0x0  }
0x30: {  	s31 =	sadd.s32 $0x19000, s18;
	[sflag:s12] =	ssyncadd.s32 $0xFFFFE000  }
0x31: {  	[spmem:s2] =	stream.indirect.scatter.add.f32 [tilespmem:s16], [sflag:$0x1], $0x80, s31, s15, $0xb8;
	v63 =	vld [tilespmem:$0x0]  }
0x32: {  	_ =	swait.ge [sflag:s12], $0x2000  }
0x33: {  	s17 =	sadd.s32 $0x1, s17;
	[sflag:s12] =	ssyncset.done $0x0  }
0x34: {  	p0 =	sne.s32 s17, s10;
	[sflag:s12] =	ssyncadd.s32 $0xFFFFE000  }
.Ltmp1:
0x35: {  	[bflag:$0x0] =	sbarrier.arrive $0xFFFF;
	(pc) =	sbr.rel @p0 .LBB2_1-.Ltmp1, $4  }
0x36: {  	[hbm:s9], [sflag:s6] =	dma.local [spmem:s11], $0x2800  }
0x37: {  	_ =	swait.ge [sflag:s12], $0x2800  }
0x38: {  	[sflag:s12] =	ssyncset.done $0x0  }
0x39: {  	[sflag:s12] =	ssyncadd.s32 $0xFFFFD800  }
0x3a: {  	_ =	sfence.sel $0x180000  }
0x3b: {  	[bflag:$0x0] =	sbarrier.arrive $0xFFFF  }
0x3c: {  	p0 =	sne.s32 s1, $0x0;
	_ =	strace $0x9000004A  }
0x3d: {  	s0 =	sadd.s32 @!p0 $0x100000, s0;
	[bflag:$0x2] =	sbarrier.arrive $0xFFFF  }
0x3e: {  	[sflag:s0] =	ssyncadd.tile.s32 @!p0 $0x1;
	_ =	shalt  }
.Lfunc_end2:
_tile_overlayer_lowered:
.L_overlay_start_2:
0x3f: {  	(tag) =	ssettag $0x2  }
0x40: {  	s0 =	rddreg [dreg:$0x0];
	s2 =	stileid.u32  }
0x41: {  	s1 =	rddreg [dreg:$0x1];
	p0 =	sne.s32 s2, $0x0  }
0x42: {  	s3 =	rddreg [dreg:$0x2];
	[bflag:$0x3] =	sbarrier.arrive $0xFFFF;
	s2 =	simm.s32 @!p0 $0x1C01  }
0x43: {  	[timem:s3], [sflag:s2] =	dma.local @!p0 [hbm:s0], s1  }
0x44: {  	s0 =	simm.s32 @!p0 $0x1  }
0x45: {  	_ =	swait.ge @!p0 [sflag:s0], s1  }
0x46: {  	s1 =	ssub.s32 @!p0 $0x0, s1;
	[sflag:s0] =	ssyncset.done @!p0 $0x0  }
0x47: {  	[sflag:s0] =	ssyncadd.s32 @!p0 s1  }
0x48: {  	[bflag:$0x3] =	sbarrier.arrive $0xFFFF  }
0x49: {  	_ =	shalt  }

// kernel: kernel.14.cloned.1.call-start
scs
__scs_entry_jumppad:
0x0: {  	(pc) =	sbr.rel $0x88, $3  }
0x1: {  	(tag) =	ssettag $0x0;
	lr =	simm.s32 $0x1  }
0x2: {  	[smem:$0x3F95] =	sst lr;
	_ =	strace $0xD0000000  }
0x3: {  	_ = 	snop  }
0x4: {  	_ = 	snop  }
0x5: {  	_ = 	snop  }
0x6: {  	_ = 	snop  }
0x7: {  	_ = 	snop  }
__scs_overlays_trampoline_lowered:
0x8: {  	[smem:$0x3FA4] =	sst s0  }
0x9: {  	[smem:$0x3FA5] =	sst s1  }
0xa: {  	[smem:$0x3FA6] =	sst s2  }
0xb: {  	[smem:$0x3FA7] =	sst s3  }
0xc: {  	[smem:$0x3FA8] =	sst s4  }
0xd: {  	[smem:$0x3FA9] =	sst s5  }
0xe: {  	[smem:$0x3FAA] =	sst s6  }
0xf: {  	[smem:$0x3FAB] =	sst s7  }
0x10: {  	[smem:$0x3FAC] =	sst s8  }
0x11: {  	[smem:$0x3FAD] =	sst s9;
	s0 =	simm.s32 @!p0 $0x0  }
0x12: {  	s1 =	sld [smem:$0x3F93];
	s0 =	simm.s32 @p0 $0x1  }
0x13: {  	[smem:$0x3FAE] =	sst s0;
	s0 =	simm.s32 @!p1 $0x0  }
0x14: {  	s2 =	sld [smem:$0x3F92];
	s0 =	simm.s32 @p1 $0x1  }
0x15: {  	[smem:$0x3FAF] =	sst s0;
	s0 =	simm.s32 @!p2 $0x0  }
0x16: {  	s3 =	sld [smem:$0x3FDB];
	s0 =	simm.s32 @p2 $0x1  }
0x17: {  	s4 =	simm.s32 $0x1BF5;
	[smem:$0x3FB1] =	sst s0  }
0x18: {  	s0 =	sld [smem:$0x3F94];
	_ =	swait.ge [sflag:s4], $0x0  }
0x19: {  	s7 =	sld [smem:$0x3F95]  }
0x1a: {  	s8 =	sadd.s32 $0xFFFFE003, lr  }
0x1b: {  	s9 =	sadd.s32 $0xFFFFFEF7, lr;
	s5 =	simm.s32 $0xFFFFFFFF;
	p2 =	slt.u32 s8, $0xFFFFF086  }
0x1c: {  	p1 =	slt.u32 s9, $0xF7A;
	s5 =	simm.s32 @!p2 $0x0  }
0x1d: {  	s5 =	simm.s32 @p1 $0x1;
	p0 =	seq.s32 s7, s2  }
0x1e: {  	s7 =	smul.u32 @!p0 $0xF7A, s2;
	p2 =	seq.s32 @!p0 s5, $0x0  }
0x1f: {  	s9 =	smul.u32 $0xF7A, s1;
	s8 =	simm.s32 @!p0 $0x1BF5;
	p2 =	por !p2, p0  }
0x20: {  	[sflag:s8] =	ssyncset.s32 @!p0 $0xFFFFF086;
	s6 =	sadd.s32 @!p0 s3, s7;
	s7 =	simm.s32 @!p0 $0x108  }
0x21: {  	s3 =	sadd.s32 s3, s9;
	s6 =	sadd.s32 @!p0 $0x88, s6;
	s7 =	simm.s32 @p2 $0x1082  }
0x22: {  	[simem:s7], [sflag:s8] =	dma.local @!p0 [hbm:s6], $0xF7A  }
0x23: {  	s9 =	sor.u32 $0xD0000000, s2;
	s6 =	simm.s32 $0x108;
	_ =	swait.ge @!p0 [sflag:s8], $0x0  }
0x24: {  	s3 =	sadd.s32 $0x88, s3;
	s6 =	simm.s32 @!p1 $0x1082;
	[sflag:s4] =	ssyncset.s32 $0xFFFFF086  }
0x25: {  	[simem:s6], [sflag:s4] =	dma.local [hbm:s3], $0xF7A  }
0x26: {  	[smem:$0x3F95] =	sst s1;
	(tag) =	ssettag s2;
	_ =	strace s9  }
0x27: {  	s1 =	sld [smem:$0x3FA5]  }
0x28: {  	s2 =	sld [smem:$0x3FA6]  }
0x29: {  	s4 =	sld [smem:$0x3FA8]  }
0x2a: {  	p0 =	seq.s32 s5, $0x0;
	s5 =	sld [smem:$0x3FA9]  }
0x2b: {  	s6 =	sld [smem:$0x3FAA]  }
0x2c: {  	s7 =	sld [smem:$0x3FAB]  }
0x2d: {  	s3 =	simm.s32 $0x108;
	s8 =	sld [smem:$0x3FAC]  }
0x2e: {  	s3 =	simm.s32 @!p0 $0x1082;
	s9 =	sld [smem:$0x3FAD]  }
0x2f: {  	lr =	sadd.s32 s0, s3;
	s0 =	sld [smem:$0x3FA4]  }
0x30: {  	s3 =	sld [smem:$0x3FA7]  }
0x31: {  	[smem:$0x3FB0] =	sst s10  }
0x32: {  	s10 =	sld [smem:$0x3FAE];
	_ =	sdelay $0x3  }
0x33: {  	p0 =	seq.s32 s10, $0x1;
	s10 =	sld [smem:$0x3FB0];
	_ =	sdelay $0x3  }
0x34: {  	[smem:$0x3FB0] =	sst s10  }
0x35: {  	s10 =	sld [smem:$0x3FAF];
	_ =	sdelay $0x3  }
0x36: {  	p1 =	seq.s32 s10, $0x1;
	s10 =	sld [smem:$0x3FB0];
	_ =	sdelay $0x3  }
0x37: {  	[smem:$0x3FB0] =	sst s10  }
0x38: {  	s10 =	sld [smem:$0x3FB1]  }
0x39: {  	_ = 	snop;
	(pc) =	sbr.ind lr, $3  }
0x3a: {  	_ = 	snop  }
0x3b: {  	_ = 	snop  }
0x3c: {  	p2 =	seq.s32 s10, $0x1;
	s10 =	sld [smem:$0x3FB0]  }
0x3d: {  	_ =	shalt  }
0x3e: {  	_ =	shalt  }
0x3f: {  	_ =	shalt  }
0x40: {  	_ =	shalt  }
0x41: {  	_ =	shalt  }
0x42: {  	_ =	shalt  }
0x43: {  	_ =	shalt  }
0x44: {  	_ =	shalt  }
0x45: {  	_ =	shalt  }
0x46: {  	_ =	shalt  }
0x47: {  	_ =	shalt  }
0x48: {  	_ =	shalt  }
0x49: {  	_ =	shalt  }
0x4a: {  	_ =	shalt  }
0x4b: {  	_ =	shalt  }
0x4c: {  	_ =	shalt  }
0x4d: {  	_ =	shalt  }
0x4e: {  	_ =	shalt  }
0x4f: {  	_ =	shalt  }
0x50: {  	_ =	shalt  }
0x51: {  	_ =	shalt  }
0x52: {  	_ =	shalt  }
0x53: {  	_ =	shalt  }
0x54: {  	_ =	shalt  }
0x55: {  	_ =	shalt  }
0x56: {  	_ =	shalt  }
0x57: {  	_ =	shalt  }
0x58: {  	_ =	shalt  }
0x59: {  	_ =	shalt  }
0x5a: {  	_ =	shalt  }
0x5b: {  	_ =	shalt  }
0x5c: {  	_ =	shalt  }
0x5d: {  	_ =	shalt  }
0x5e: {  	_ =	shalt  }
0x5f: {  	_ =	shalt  }
0x60: {  	_ =	shalt  }
0x61: {  	_ =	shalt  }
0x62: {  	_ =	shalt  }
0x63: {  	_ =	shalt  }
0x64: {  	_ =	shalt  }
0x65: {  	_ =	shalt  }
0x66: {  	_ =	shalt  }
0x67: {  	_ =	shalt  }
0x68: {  	_ =	shalt  }
0x69: {  	_ =	shalt  }
0x6a: {  	_ =	shalt  }
0x6b: {  	_ =	shalt  }
0x6c: {  	_ =	shalt  }
0x6d: {  	_ =	shalt  }
0x6e: {  	_ =	shalt  }
0x6f: {  	_ =	shalt  }
0x70: {  	_ =	shalt  }
0x71: {  	_ =	shalt  }
0x72: {  	_ =	shalt  }
0x73: {  	_ =	shalt  }
0x74: {  	_ =	shalt  }
0x75: {  	_ =	shalt  }
0x76: {  	_ =	shalt  }
0x77: {  	_ =	shalt  }
0x78: {  	_ =	shalt  }
0x79: {  	_ =	shalt  }
0x7a: {  	_ =	shalt  }
0x7b: {  	_ =	shalt  }
0x7c: {  	_ =	shalt  }
0x7d: {  	_ =	shalt  }
0x7e: {  	_ =	shalt  }
0x7f: {  	_ =	shalt  }
0x80: {  	_ =	shalt  }
0x81: {  	_ =	shalt  }
0x82: {  	_ =	shalt  }
0x83: {  	_ =	shalt  }
0x84: {  	_ =	shalt  }
0x85: {  	_ =	shalt  }
0x86: {  	_ =	shalt  }
0x87: {  	_ =	shalt  }
.Lfunc_end0:
.L_simem_size_0:
called_computation.2_lowered:
.L_overlay_start_0:
0x88: {  	s2 =	sld [smem:$0x3FD9]  }
0x89: {  	s3 =	sld [smem:$0x3FFE];
	_ =	sdelay $0x1  }
0x8a: {  	s1 =	srdreg.scid  }
0x8b: {  	s0 =	sand.u32 $0x1, s1  }
0x8c: {  	s16 =	sshll.u32 s0, $0xA;
	s2 =	sadd.s32 s3, s2  }
0x8d: {  	s2 =	sadd.s32 s2, s16  }
0x8e: {  	[smem:$0x3FBC] =	sst s2  }
0x8f: {  	_ = 	snop  }
0x90: {  	(tm) =	ssettm $0x1  }
0x91: {  	s17 =	sld [smem:$0x3FFB];
	_ =	sdelay $0x3  }
0x92: {  	_ =	strace s17  }
0x93: {  	s2 =	sld [smem:$0x3FFC];
	_ =	sdelay $0x3  }
0x94: {  	_ =	strace s2  }
0x95: {  	s2 =	sld [smem:$0x3FFD];
	_ =	sdelay $0x3  }
0x96: {  	_ =	strace s2  }
0x97: {  	_ =	strace $0x8FFFFFFF  }
0x98: {  	s18 =	sld [smem:$0x3FDB];
	_ =	sdelay $0x1  }
0x99: {  	s19 =	simm.s32 $_scs_section_size  }
0x9a: {  	s4 =	simm.s32 $_size__tile_overlayer_lowered;
	s5 =	simm.s32 $_tile_overlayer_lowered  }
0x9b: {  	s22 =	simm.s32 $0x1BFF;
	s21 =	sshll.u32 s5, $0x1;
	s2 =	sadd.s32 s19, s18  }
0x9c: {  	s6 =	simm.s32 $0x0;
	s20 =	sshll.u32 s4, $0x1;
	s4 =	sadd.s32 s21, s2  }
0x9d: {  	[timem:s6], [sflag:s22] =	dma.local [hbm:s4], s20  }
0x9e: {  	_ =	swait.ge [sflag:s22], s20  }
0x9f: {  	s3 =	ssub.s32 $0x0, s20;
	[sflag:s22] =	ssyncset.done $0x0  }
0xa0: {  	[sflag:s22] =	ssyncadd.s32 s3;
	_ =	sdelay $0x1  }
0xa1: {  	s23 =	simm.s32 $0x1B8B  }
0xa2: {  	_ =	swait.ge [sflag:s23], $0x1  }
0xa3: {  	[sflag:s23] =	ssyncset.done $0x0  }
0xa4: {  	s25 =	simm.s32 $0x1B8E;
	s24 =	sld [smem:$0x3FFE];
	[sflag:s23] =	ssyncadd.s32 $0xFFFFFFFF  }
0xa5: {  	s26 =	simm.s32 $execute0_lowered;
	[smem:$0x3FD2] =	sst s25  }
0xa6: {  	s4 =	sshll.u32 s26, $0x1;
	_ =	strace $0x8000004C;
	[dreg:$0x1] =	wrdreg $0xFFFFFFFF  }
0xa7: {  	s28 =	simm.s32 $_size_execute0_lowered;
	s2 =	sadd.s32 s2, s4;
	[dreg:$0x0] =	wrdreg $0x0  }
0xa8: {  	s4 =	sshll.u32 s28, $0x1;
	[dreg:$0x2] =	wrdreg s2  }
0xa9: {  	[dreg:$0x3] =	wrdreg s4  }
0xaa: {  	[dreg:$0x4] =	wrdreg $0xC0  }
0xab: {  	_ =	task [dreg:s6], $0x5FFFF  }
0xac: {  	[dreg:$0x1] =	wrdreg $0xFFFFFFFF  }
0xad: {  	[dreg:$0x0] =	wrdreg $0x60  }
0xae: {  	[dreg:$0x2] =	wrdreg s24  }
0xaf: {  	[dreg:$0x3] =	wrdreg $0x0  }
0xb0: {  	[dreg:$0x4] =	wrdreg $0x9  }
0xb1: {  	_ =	task.clear_ibuf [dreg:s6], $0x5FFFF;
	_ =	strace $0x9000004C  }
0xb2: {  	s29 =	simm.s32 $0x9;
	_ =	strace $0x8000004E  }
0xb3: {  	_ =	swait.ge [sflag:s29], $0x1  }
0xb4: {  	[sflag:s29] =	ssyncadd.s32 $0xFFFFFFFF  }
0xb5: {  	_ =	strace $0x9000004E  }
0xb6: {  	_ =	sfence  }
0xb7: {  	s30 =	sld [smem:$0x0];
	_ =	sdelay $0x2  }
0xb8: {  	s31 =	sshll.u32 s1, $0xD;
	s1 =	sshrl.u32 s1, $0x2  }
0xb9: {  	s3 =	sand.u32 $0x4000, s31;
	s1 =	sadd.s32 s1, s30  }
0xba: {  	s0 =	sor.u32 s3, s0;
	s1 =	sshll.u32 s1, $0x11  }
0xbb: {  	s0 =	sor.u32 s1, s0  }
0xbc: {  	s0 =	sadd.s32 $0x8F2B, s0  }
0xbd: {  	[sflag:s0] =	ssyncadd.remote.s32 $0x1  }
0xbe: {  	_ =	sfence.sel $0xFFFF  }
0xbf: {  	[dreg:$0x0] =	wrdreg $0xFFFFFFFF;
	(pc) =	sbr.abs _section_cstart, $3  }
0xc0: {  	[dreg:$0x1] =	wrdreg $0xFFFFFFFF  }
0xc1: {  	_ =	task.clear_ibuf [dreg:s6], $0x2FFFF;
	_ =	strace $0x9FFFFFFF  }
0xc2: {  	(tm) =	ssettm $0x7FFFFFFF  }
0xc3: {  	_ =	shalt  }
tec
execute0_lowered:
.L_overlay_start_1:
0x0: {  	(tag) =	ssettag $0x1  }
0x1: {  	s5 =	rddreg [dreg:$0x0]  }
0x2: {  	s0 =	srdreg.scid;
	s2 =	rddreg [dreg:$0x1]  }
0x3: {  	s1 =	stileid.u32;
	s3 =	simm.s32 $0x0;
	s14 =	simm.s32 $0x19000  }
0x4: {  	s15 =	simm.s32 $0x40;
	s16 =	simm.s32 $0x1E000;
	s17 =	simm.s32 $0x0  }
0x5: {  	s6 =	sand.u32 $0x1, s0;
	s0 =	rddreg [dreg:$0x2];
	s7 =	smul.u32 $0x2800, s1  }
0x6: {  	[smem:$0x7FF] =	sst s3;
	s11 =	smul.u32 $0x50000, s1;
	s31 =	sshll.u32 s1, $0x6  }
0x7: {  	s4 =	sshll.u32 s6, $0x4;
	_ =	strace $0x8000004D;
	s9 =	smul.u32 $0x28000, s6  }
0x8: {  	s6 =	ssub.s32 $0x2, s6;
	s4 =	sor.u32 s1, s4;
	s10 =	sadd.s32 s7, s5  }
0x9: {  	s29 =	sshrl.u32 s6, $0x1;
	s30 =	sshrl.u32 s11, $0x2;
	s8 =	smul.u32 $0xA00, s4  }
0xa: {  	s4 =	sadd.s32 $0x3600, s5;
	s7 =	sadd.s32 s7, s9;
	s13 =	ssub.s32 s6, s29  }
0xb: {  	s11 =	sadd.s32 s30, s2;
	s6 =	sor.u32 $0x1C01, s31;
	s12 =	sadd.s32 s7, s5  }
0xc: {  	s11 =	sshrl.u32 s11, $0x3;
	s8 =	sadd.s32 s8, s5;
	s5 =	sadd.s32 $0x53600, s10  }
0xd: {  	s9 =	sadd.s32 $0x7B600, s12;
	s10 =	smax.u32 s13, $0x1;
	s12 =	simm.s32 $0x1  }
0xe: {  	s13 =	simm.s32 $0x14000;
	s7 =	sadd.s32 $0x2B600, s8;
	s8 =	sadd.s32 $0x3F600, s8  }
.LBB2_1:
0xf: {  	[spmem:s11], [sflag:s6] =	dma.local [hbm:s5], $0x2800  }
0x10: {  	_ =	swait.ge [sflag:s12], $0x2800  }
0x11: {  	[sflag:s12] =	ssyncset.done $0x0  }
0x12: {  	[sflag:s12] =	ssyncadd.s32 $0xFFFFD800  }
0x13: {  	[tilespmem:s13], [sflag:$0x1] =	stream.linear.gather [hbm4b:s7+s3], $0x4F00, $0x38;
	v63 =	vld [tilespmem:$0x0]  }
0x14: {  	_ =	swait.ge [sflag:s12], $0x4F00  }
0x15: {  	[sflag:s12] =	ssyncset.done $0x0  }
0x16: {  	[sflag:s12] =	ssyncadd.s32 $0xFFFFB100  }
0x17: {  	[tilespmem:s14], [sflag:$0x1] =	stream.linear.gather [hbm4b:s8+s3], $0x4F00, $0x38;
	v63 =	vld [tilespmem:$0x0]  }
0x18: {  	_ =	swait.ge [sflag:s12], $0x4F00  }
0x19: {  	[sflag:s12] =	ssyncset.done $0x0  }
0x1a: {  	[sflag:s12] =	ssyncadd.s32 $0xFFFFB100  }
0x1b: {  	s18 =	simm.s32 $0x14000;
	[bflag:$0x0] =	sbarrier.arrive $0xFFFF  }
0x1c: {  	[tilespmem:s16], [sflag:$0x1] =	stream.indirect.gather [hbm4b:s4+s15], $0x80, s18, s15, $0xb8;
	v63 =	vld [tilespmem:$0x0]  }
0x1d: {  	_ =	swait.ge [sflag:s12], $0x2000  }
0x1e: {  	[sflag:s12] =	ssyncset.done $0x0  }
0x1f: {  	s31 =	simm.s32 $0x19000;
	[sflag:s12] =	ssyncadd.s32 $0xFFFFE000  }
0x20: {  	[spmem:s2] =	stream.indirect.scatter.add.f32 [tilespmem:s16], [sflag:$0x1], $0x80, s31, s15, $0xb8;
	v63 =	vld [tilespmem:$0x0]  }
0x21: {  	_ =	swait.ge [sflag:s12], $0x2000  }
0x22: {  	s19 =	simm.s32 $0x400;
	s18 =	simm.s32 $0x80;
	[sflag:s12] =	ssyncset.done $0x0  }
.LBB2_2:
0x23: {  	s20 =	sadd.s32 $0x14000, s18  }
0x24: {  	[sflag:s12] =	ssyncadd.s32 $0xFFFFE000;
	s21 =	smov.u32 s19;
	s22 =	sadd.s32 $0x200, s19  }
0x25: {  	[tilespmem:s16], [sflag:$0x1] =	stream.indirect.gather [hbm4b:s4+s15], $0x80, s20, s15, $0xb8;
	v63 =	vld [tilespmem:$0x0]  }
0x26: {  	p0 =	sne.s32 s19, $0x13A00;
	_ =	swait.ge [sflag:s12], $0x2000  }
.Ltmp0:
0x27: {  	[sflag:s12] =	ssyncset.done $0x0;
	(pc) =	sbr.rel @p0 .LBB2_2-.Ltmp0, $4  }
0x28: {  	s18 =	sadd.s32 $0x19000, s18;
	[sflag:s12] =	ssyncadd.s32 $0xFFFFE000  }
0x29: {  	[spmem:s2] =	stream.indirect.scatter.add.f32 [tilespmem:s16], [sflag:$0x1], $0x80, s18, s15, $0xb8;
	v63 =	vld [tilespmem:$0x0]  }
0x2a: {  	_ =	swait.ge [sflag:s12], $0x2000  }
0x2b: {  	s19 =	smov.u32 s22;
	s18 =	sshra.s32 s21, $0x2;
	[sflag:s12] =	ssyncset.done $0x0  }
0x2c: {  	s19 =	sadd.s32 $0x14000, s18;
	[sflag:s12] =	ssyncadd.s32 $0xFFFFE000  }
0x2d: {  	[tilespmem:s16], [sflag:$0x1] =	stream.indirect.gather [hbm4b:s4+s15], $0x80, s19, s15, $0xb8;
	v63 =	vld [tilespmem:$0x0]  }
0x2e: {  	_ =	swait.ge [sflag:s12], $0x2000  }
0x2f: {  	[sflag:s12] =	ssyncset.done $0x0  }
0x30: {  	s31 =	sadd.s32 $0x19000, s18;
	[sflag:s12] =	ssyncadd.s32 $0xFFFFE000  }
0x31: {  	[spmem:s2] =	stream.indirect.scatter.add.f32 [tilespmem:s16], [sflag:$0x1], $0x80, s31, s15, $0xb8;
	v63 =	vld [tilespmem:$0x0]  }
0x32: {  	_ =	swait.ge [sflag:s12], $0x2000  }
0x33: {  	s17 =	sadd.s32 $0x1, s17;
	[sflag:s12] =	ssyncset.done $0x0  }
0x34: {  	p0 =	sne.s32 s17, s10;
	[sflag:s12] =	ssyncadd.s32 $0xFFFFE000  }
.Ltmp1:
0x35: {  	[bflag:$0x0] =	sbarrier.arrive $0xFFFF;
	(pc) =	sbr.rel @p0 .LBB2_1-.Ltmp1, $4  }
0x36: {  	[hbm:s9], [sflag:s6] =	dma.local [spmem:s11], $0x2800  }
0x37: {  	_ =	swait.ge [sflag:s12], $0x2800  }
0x38: {  	[sflag:s12] =	ssyncset.done $0x0  }
0x39: {  	[sflag:s12] =	ssyncadd.s32 $0xFFFFD800  }
0x3a: {  	_ =	sfence.sel $0x180000  }
0x3b: {  	[bflag:$0x0] =	sbarrier.arrive $0xFFFF  }
0x3c: {  	p0 =	sne.s32 s1, $0x0;
	_ =	strace $0x9000004D  }
0x3d: {  	s0 =	sadd.s32 @!p0 $0x100000, s0;
	[bflag:$0x2] =	sbarrier.arrive $0xFFFF  }
0x3e: {  	[sflag:s0] =	ssyncadd.tile.s32 @!p0 $0x1;
	_ =	shalt  }
.Lfunc_end2:
_tile_overlayer_lowered:
.L_overlay_start_2:
0x3f: {  	(tag) =	ssettag $0x2  }
0x40: {  	s0 =	rddreg [dreg:$0x0];
	s2 =	stileid.u32  }
0x41: {  	s1 =	rddreg [dreg:$0x1];
	p0 =	sne.s32 s2, $0x0  }
0x42: {  	s3 =	rddreg [dreg:$0x2];
	[bflag:$0x3] =	sbarrier.arrive $0xFFFF;
	s2 =	simm.s32 @!p0 $0x1C01  }
0x43: {  	[timem:s3], [sflag:s2] =	dma.local @!p0 [hbm:s0], s1  }
0x44: {  	s0 =	simm.s32 @!p0 $0x1  }
0x45: {  	_ =	swait.ge @!p0 [sflag:s0], s1  }
0x46: {  	s1 =	ssub.s32 @!p0 $0x0, s1;
	[sflag:s0] =	ssyncset.done @!p0 $0x0  }
0x47: {  	[sflag:s0] =	ssyncadd.s32 @!p0 s1  }
0x48: {  	[bflag:$0x3] =	sbarrier.arrive $0xFFFF  }
0x49: {  	_ =	shalt  }

// kernel: kernel.8.cloned.1.call-start
scs
__scs_entry_jumppad:
0x0: {  	(pc) =	sbr.rel $0x88, $3  }
0x1: {  	(tag) =	ssettag $0x0;
	lr =	simm.s32 $0x1  }
0x2: {  	[smem:$0x3F95] =	sst lr;
	_ =	strace $0xD0000000  }
0x3: {  	_ = 	snop  }
0x4: {  	_ = 	snop  }
0x5: {  	_ = 	snop  }
0x6: {  	_ = 	snop  }
0x7: {  	_ = 	snop  }
__scs_overlays_trampoline_lowered:
0x8: {  	[smem:$0x3FA4] =	sst s0  }
0x9: {  	[smem:$0x3FA5] =	sst s1  }
0xa: {  	[smem:$0x3FA6] =	sst s2  }
0xb: {  	[smem:$0x3FA7] =	sst s3  }
0xc: {  	[smem:$0x3FA8] =	sst s4  }
0xd: {  	[smem:$0x3FA9] =	sst s5  }
0xe: {  	[smem:$0x3FAA] =	sst s6  }
0xf: {  	[smem:$0x3FAB] =	sst s7  }
0x10: {  	[smem:$0x3FAC] =	sst s8  }
0x11: {  	[smem:$0x3FAD] =	sst s9;
	s0 =	simm.s32 @!p0 $0x0  }
0x12: {  	s1 =	sld [smem:$0x3F93];
	s0 =	simm.s32 @p0 $0x1  }
0x13: {  	[smem:$0x3FAE] =	sst s0;
	s0 =	simm.s32 @!p1 $0x0  }
0x14: {  	s2 =	sld [smem:$0x3F92];
	s0 =	simm.s32 @p1 $0x1  }
0x15: {  	[smem:$0x3FAF] =	sst s0;
	s0 =	simm.s32 @!p2 $0x0  }
0x16: {  	s3 =	sld [smem:$0x3FDB];
	s0 =	simm.s32 @p2 $0x1  }
0x17: {  	s4 =	simm.s32 $0x1BF5;
	[smem:$0x3FB1] =	sst s0  }
0x18: {  	s0 =	sld [smem:$0x3F94];
	_ =	swait.ge [sflag:s4], $0x0  }
0x19: {  	s7 =	sld [smem:$0x3F95]  }
0x1a: {  	s8 =	sadd.s32 $0xFFFFE003, lr  }
0x1b: {  	s9 =	sadd.s32 $0xFFFFFEF7, lr;
	s5 =	simm.s32 $0xFFFFFFFF;
	p2 =	slt.u32 s8, $0xFFFFF086  }
0x1c: {  	p1 =	slt.u32 s9, $0xF7A;
	s5 =	simm.s32 @!p2 $0x0  }
0x1d: {  	s5 =	simm.s32 @p1 $0x1;
	p0 =	seq.s32 s7, s2  }
0x1e: {  	s7 =	smul.u32 @!p0 $0xF7A, s2;
	p2 =	seq.s32 @!p0 s5, $0x0  }
0x1f: {  	s9 =	smul.u32 $0xF7A, s1;
	s8 =	simm.s32 @!p0 $0x1BF5;
	p2 =	por !p2, p0  }
0x20: {  	[sflag:s8] =	ssyncset.s32 @!p0 $0xFFFFF086;
	s6 =	sadd.s32 @!p0 s3, s7;
	s7 =	simm.s32 @!p0 $0x108  }
0x21: {  	s3 =	sadd.s32 s3, s9;
	s6 =	sadd.s32 @!p0 $0x88, s6;
	s7 =	simm.s32 @p2 $0x1082  }
0x22: {  	[simem:s7], [sflag:s8] =	dma.local @!p0 [hbm:s6], $0xF7A  }
0x23: {  	s9 =	sor.u32 $0xD0000000, s2;
	s6 =	simm.s32 $0x108;
	_ =	swait.ge @!p0 [sflag:s8], $0x0  }
0x24: {  	s3 =	sadd.s32 $0x88, s3;
	s6 =	simm.s32 @!p1 $0x1082;
	[sflag:s4] =	ssyncset.s32 $0xFFFFF086  }
0x25: {  	[simem:s6], [sflag:s4] =	dma.local [hbm:s3], $0xF7A  }
0x26: {  	[smem:$0x3F95] =	sst s1;
	(tag) =	ssettag s2;
	_ =	strace s9  }
0x27: {  	s1 =	sld [smem:$0x3FA5]  }
0x28: {  	s2 =	sld [smem:$0x3FA6]  }
0x29: {  	s4 =	sld [smem:$0x3FA8]  }
0x2a: {  	p0 =	seq.s32 s5, $0x0;
	s5 =	sld [smem:$0x3FA9]  }
0x2b: {  	s6 =	sld [smem:$0x3FAA]  }
0x2c: {  	s7 =	sld [smem:$0x3FAB]  }
0x2d: {  	s3 =	simm.s32 $0x108;
	s8 =	sld [smem:$0x3FAC]  }
0x2e: {  	s3 =	simm.s32 @!p0 $0x1082;
	s9 =	sld [smem:$0x3FAD]  }
0x2f: {  	lr =	sadd.s32 s0, s3;
	s0 =	sld [smem:$0x3FA4]  }
0x30: {  	s3 =	sld [smem:$0x3FA7]  }
0x31: {  	[smem:$0x3FB0] =	sst s10  }
0x32: {  	s10 =	sld [smem:$0x3FAE];
	_ =	sdelay $0x3  }
0x33: {  	p0 =	seq.s32 s10, $0x1;
	s10 =	sld [smem:$0x3FB0];
	_ =	sdelay $0x3  }
0x34: {  	[smem:$0x3FB0] =	sst s10  }
0x35: {  	s10 =	sld [smem:$0x3FAF];
	_ =	sdelay $0x3  }
0x36: {  	p1 =	seq.s32 s10, $0x1;
	s10 =	sld [smem:$0x3FB0];
	_ =	sdelay $0x3  }
0x37: {  	[smem:$0x3FB0] =	sst s10  }
0x38: {  	s10 =	sld [smem:$0x3FB1]  }
0x39: {  	_ = 	snop;
	(pc) =	sbr.ind lr, $3  }
0x3a: {  	_ = 	snop  }
0x3b: {  	_ = 	snop  }
0x3c: {  	p2 =	seq.s32 s10, $0x1;
	s10 =	sld [smem:$0x3FB0]  }
0x3d: {  	_ =	shalt  }
0x3e: {  	_ =	shalt  }
0x3f: {  	_ =	shalt  }
0x40: {  	_ =	shalt  }
0x41: {  	_ =	shalt  }
0x42: {  	_ =	shalt  }
0x43: {  	_ =	shalt  }
0x44: {  	_ =	shalt  }
0x45: {  	_ =	shalt  }
0x46: {  	_ =	shalt  }
0x47: {  	_ =	shalt  }
0x48: {  	_ =	shalt  }
0x49: {  	_ =	shalt  }
0x4a: {  	_ =	shalt  }
0x4b: {  	_ =	shalt  }
0x4c: {  	_ =	shalt  }
0x4d: {  	_ =	shalt  }
0x4e: {  	_ =	shalt  }
0x4f: {  	_ =	shalt  }
0x50: {  	_ =	shalt  }
0x51: {  	_ =	shalt  }
0x52: {  	_ =	shalt  }
0x53: {  	_ =	shalt  }
0x54: {  	_ =	shalt  }
0x55: {  	_ =	shalt  }
0x56: {  	_ =	shalt  }
0x57: {  	_ =	shalt  }
0x58: {  	_ =	shalt  }
0x59: {  	_ =	shalt  }
0x5a: {  	_ =	shalt  }
0x5b: {  	_ =	shalt  }
0x5c: {  	_ =	shalt  }
0x5d: {  	_ =	shalt  }
0x5e: {  	_ =	shalt  }
0x5f: {  	_ =	shalt  }
0x60: {  	_ =	shalt  }
0x61: {  	_ =	shalt  }
0x62: {  	_ =	shalt  }
0x63: {  	_ =	shalt  }
0x64: {  	_ =	shalt  }
0x65: {  	_ =	shalt  }
0x66: {  	_ =	shalt  }
0x67: {  	_ =	shalt  }
0x68: {  	_ =	shalt  }
0x69: {  	_ =	shalt  }
0x6a: {  	_ =	shalt  }
0x6b: {  	_ =	shalt  }
0x6c: {  	_ =	shalt  }
0x6d: {  	_ =	shalt  }
0x6e: {  	_ =	shalt  }
0x6f: {  	_ =	shalt  }
0x70: {  	_ =	shalt  }
0x71: {  	_ =	shalt  }
0x72: {  	_ =	shalt  }
0x73: {  	_ =	shalt  }
0x74: {  	_ =	shalt  }
0x75: {  	_ =	shalt  }
0x76: {  	_ =	shalt  }
0x77: {  	_ =	shalt  }
0x78: {  	_ =	shalt  }
0x79: {  	_ =	shalt  }
0x7a: {  	_ =	shalt  }
0x7b: {  	_ =	shalt  }
0x7c: {  	_ =	shalt  }
0x7d: {  	_ =	shalt  }
0x7e: {  	_ =	shalt  }
0x7f: {  	_ =	shalt  }
0x80: {  	_ =	shalt  }
0x81: {  	_ =	shalt  }
0x82: {  	_ =	shalt  }
0x83: {  	_ =	shalt  }
0x84: {  	_ =	shalt  }
0x85: {  	_ =	shalt  }
0x86: {  	_ =	shalt  }
0x87: {  	_ =	shalt  }
.Lfunc_end0:
.L_simem_size_0:
called_computation_lowered:
.L_overlay_start_0:
0x88: {  	s2 =	sld [smem:$0x3FD9]  }
0x89: {  	s3 =	sld [smem:$0x3FFE];
	_ =	sdelay $0x1  }
0x8a: {  	s1 =	srdreg.scid  }
0x8b: {  	s0 =	sand.u32 $0x1, s1  }
0x8c: {  	s17 =	sshll.u32 s0, $0xA;
	s2 =	sadd.s32 s3, s2  }
0x8d: {  	s2 =	sadd.s32 s2, s17  }
0x8e: {  	[smem:$0x3FBC] =	sst s2  }
0x8f: {  	_ = 	snop  }
0x90: {  	s2 =	sld [smem:$0x3FD0];
	(tm) =	ssettm $0x1  }
0x91: {  	s18 =	sld [smem:$0x3FFB];
	_ =	sdelay $0x3  }
0x92: {  	_ =	strace s18  }
0x93: {  	s3 =	sld [smem:$0x3FFC];
	_ =	sdelay $0x3  }
0x94: {  	_ =	strace s3  }
0x95: {  	s3 =	sld [smem:$0x3FFD];
	_ =	sdelay $0x3  }
0x96: {  	_ =	strace s3  }
0x97: {  	_ =	strace $0x8FFFFFFF  }
0x98: {  	s19 =	sld [smem:$0x3FDB];
	_ =	sdelay $0x1  }
0x99: {  	s4 =	simm.s32 $_scs_section_size  }
0x9a: {  	s5 =	simm.s32 $_size__tile_overlayer_lowered;
	s6 =	simm.s32 $_tile_overlayer_lowered  }
0x9b: {  	s22 =	simm.s32 $0x1BFF;
	s21 =	sshll.u32 s6, $0x1;
	s3 =	sadd.s32 s4, s19  }
0x9c: {  	s7 =	simm.s32 $0x0;
	s20 =	sshll.u32 s5, $0x1;
	s5 =	sadd.s32 s21, s3  }
0x9d: {  	[timem:s7], [sflag:s22] =	dma.local [hbm:s5], s20  }
0x9e: {  	_ =	swait.ge [sflag:s22], s20  }
0x9f: {  	s4 =	ssub.s32 $0x0, s20;
	[sflag:s22] =	ssyncset.done $0x0  }
0xa0: {  	[sflag:s22] =	ssyncadd.s32 s4;
	_ =	sdelay $0x1  }
0xa1: {  	s23 =	simm.s32 $0x1B8B  }
0xa2: {  	_ =	swait.ge [sflag:s23], $0x1  }
0xa3: {  	[sflag:s23] =	ssyncset.done $0x0  }
0xa4: {  	s25 =	simm.s32 $0x1B8E;
	s24 =	sld [smem:$0x3FFE];
	[sflag:s23] =	ssyncadd.s32 $0xFFFFFFFF  }
0xa5: {  	s26 =	simm.s32 $execute0_lowered;
	[smem:$0x3FD2] =	sst s25  }
0xa6: {  	s5 =	sshll.u32 s26, $0x1;
	_ =	strace $0x80000046;
	[dreg:$0x1] =	wrdreg $0xFFFFFFFF  }
0xa7: {  	s28 =	simm.s32 $_size_execute0_lowered;
	s3 =	sadd.s32 s3, s5;
	[dreg:$0x0] =	wrdreg $0x0  }
0xa8: {  	s5 =	sshll.u32 s28, $0x1;
	[dreg:$0x2] =	wrdreg s3  }
0xa9: {  	[dreg:$0x3] =	wrdreg s5  }
0xaa: {  	[dreg:$0x4] =	wrdreg $0xC0  }
0xab: {  	_ =	task [dreg:s7], $0x5FFFF  }
0xac: {  	[dreg:$0x1] =	wrdreg $0xFFFFFFFF  }
0xad: {  	[dreg:$0x0] =	wrdreg $0x60  }
0xae: {  	[dreg:$0x2] =	wrdreg s24  }
0xaf: {  	[dreg:$0x3] =	wrdreg s2  }
0xb0: {  	[dreg:$0x4] =	wrdreg $0x0  }
0xb1: {  	[dreg:$0x5] =	wrdreg $0x9  }
0xb2: {  	_ =	task.clear_ibuf [dreg:s7], $0x6FFFF;
	_ =	strace $0x90000046  }
0xb3: {  	s29 =	simm.s32 $0x9;
	_ =	strace $0x80000048  }
0xb4: {  	_ =	swait.ge [sflag:s29], $0x1  }
0xb5: {  	[sflag:s29] =	ssyncadd.s32 $0xFFFFFFFF  }
0xb6: {  	_ =	strace $0x90000048  }
0xb7: {  	_ =	sfence  }
0xb8: {  	s30 =	sld [smem:$0x0];
	_ =	sdelay $0x2  }
0xb9: {  	s31 =	sshll.u32 s1, $0xD;
	s1 =	sshrl.u32 s1, $0x2  }
0xba: {  	s3 =	sand.u32 $0x4000, s31;
	s1 =	sadd.s32 s1, s30  }
0xbb: {  	s0 =	sor.u32 s3, s0;
	s1 =	sshll.u32 s1, $0x11  }
0xbc: {  	s0 =	sor.u32 s1, s0  }
0xbd: {  	s0 =	sadd.s32 $0x8F2B, s0  }
0xbe: {  	[sflag:s0] =	ssyncadd.remote.s32 $0x1  }
0xbf: {  	_ =	sfence.sel $0xFFFF  }
0xc0: {  	[dreg:$0x0] =	wrdreg $0xFFFFFFFF;
	(pc) =	sbr.abs _section_cstart, $3  }
0xc1: {  	[dreg:$0x1] =	wrdreg $0xFFFFFFFF  }
0xc2: {  	_ =	task.clear_ibuf [dreg:s7], $0x2FFFF;
	_ =	strace $0x9FFFFFFF  }
0xc3: {  	(tm) =	ssettm $0x7FFFFFFF  }
tec
execute0_lowered:
.L_overlay_start_1:
0x0: {  	(tag) =	ssettag $0x1  }
0x1: {  	s5 =	rddreg [dreg:$0x0]  }
0x2: {  	s6 =	rddreg [dreg:$0x1]  }
0x3: {  	s0 =	srdreg.scid;
	s2 =	rddreg [dreg:$0x2]  }
0x4: {  	s3 =	simm.s32 $0x0;
	s10 =	simm.s32 $0x280;
	s11 =	simm.s32 $0x40  }
0x5: {  	s12 =	simm.s32 $0xA500;
	s4 =	sand.u32 $0x1, s0;
	s0 =	stileid.u32  }
0x6: {  	s15 =	simm.s32 $0x0;
	[smem:$0x7FF] =	sst s3;
	s8 =	smul.u32 $0x280, s0  }
0x7: {  	s1 =	sshll.u32 s4, $0x4;
	s9 =	smul.u32 $0x2800, s4;
	s4 =	ssub.s32 $0x2, s4  }
0x8: {  	s13 =	sshll.u32 s0, $0x6;
	s1 =	sor.u32 s0, s1;
	s30 =	sshrl.u32 s4, $0x1  }
0x9: {  	s13 =	sor.u32 $0x1C01, s13;
	s7 =	smul.u32 $0x1400, s1;
	s9 =	sadd.s32 s8, s9  }
0xa: {  	s1 =	rddreg [dreg:$0x3];
	_ =	strace $0x80000047;
	s31 =	sshrl.u32 s9, $0x3  }
0xb: {  	s9 =	simm.s32 $0x1;
	s5 =	sadd.s32 s7, s5;
	s7 =	ssub.s32 s4, s30  }
0xc: {  	s4 =	sadd.s32 s8, s2;
	s6 =	sadd.s32 s6, s31;
	s8 =	simm.s32 $0xA280  }
0xd: {  	v0 =	vimm.f32 $1.000000000e+00;
	v1 =	vimm.f32 $0.0e+00;
	s5 =	sadd.s32 $0x3600, s5;
	s7 =	smax.u32 s7, $0x1;
	s14 =	sshrl.u32 s4, $0x3  }
.LBB2_1:
0xe: {  	[tilespmem:$0xA500] =	vst v0  }
0xf: {  	[tilespmem:$0xA510] =	vst v0  }
0x10: {  	[tilespmem:$0xA520] =	vst v0  }
0x11: {  	[tilespmem:$0xA530] =	vst v0  }
0x12: {  	[tilespmem:$0xA280] =	vst v1  }
0x13: {  	[tilespmem:$0xA290] =	vst v1  }
0x14: {  	[tilespmem:$0xA2A0] =	vst v1  }
0x15: {  	[tilespmem:$0xA2B0] =	vst v1  }
0x16: {  	[tilespmem:$0xA2C0] =	vst v1  }
0x17: {  	[tilespmem:$0xA2D0] =	vst v1  }
0x18: {  	[tilespmem:$0xA2E0] =	vst v1  }
0x19: {  	[tilespmem:$0xA2F0] =	vst v1  }
0x1a: {  	[tilespmem:$0xA300] =	vst v1  }
0x1b: {  	[tilespmem:$0xA310] =	vst v1  }
0x1c: {  	[tilespmem:$0xA320] =	vst v1  }
0x1d: {  	[tilespmem:$0xA330] =	vst v1  }
0x1e: {  	[tilespmem:$0xA340] =	vst v1  }
0x1f: {  	[tilespmem:$0xA350] =	vst v1  }
0x20: {  	[tilespmem:$0xA360] =	vst v1  }
0x21: {  	[tilespmem:$0xA370] =	vst v1  }
0x22: {  	[tilespmem:$0xA380] =	vst v1  }
0x23: {  	[tilespmem:$0xA390] =	vst v1  }
0x24: {  	[tilespmem:$0xA3A0] =	vst v1  }
0x25: {  	[tilespmem:$0xA3B0] =	vst v1  }
0x26: {  	[tilespmem:$0xA3C0] =	vst v1  }
0x27: {  	[tilespmem:$0xA3D0] =	vst v1  }
0x28: {  	[tilespmem:$0xA3E0] =	vst v1  }
0x29: {  	[tilespmem:$0xA3F0] =	vst v1  }
0x2a: {  	[tilespmem:$0xA400] =	vst v1  }
0x2b: {  	[tilespmem:$0xA410] =	vst v1  }
0x2c: {  	[tilespmem:$0xA420] =	vst v1  }
0x2d: {  	[tilespmem:$0xA430] =	vst v1  }
0x2e: {  	[tilespmem:$0xA440] =	vst v1  }
0x2f: {  	[tilespmem:$0xA450] =	vst v1  }
0x30: {  	[tilespmem:$0xA460] =	vst v1  }
0x31: {  	[tilespmem:$0xA470] =	vst v1  }
0x32: {  	[tilespmem:$0xA480] =	vst v1  }
0x33: {  	[tilespmem:$0xA490] =	vst v1  }
0x34: {  	[tilespmem:$0xA4A0] =	vst v1  }
0x35: {  	[tilespmem:$0xA4B0] =	vst v1  }
0x36: {  	[tilespmem:$0xA4C0] =	vst v1  }
0x37: {  	[tilespmem:$0xA4D0] =	vst v1  }
0x38: {  	[tilespmem:$0xA4E0] =	vst v1  }
0x39: {  	[tilespmem:$0xA4F0] =	vst v1  }
0x3a: {  	[spmem:s4] =	stream.linear.scatter [tilespmem:s8], [sflag:$0x1], $0x280, $0x38;
	[tilespmem:$0xA580] =	vst v63  }
0x3b: {  	_ =	swait.ge [sflag:s9], $0x280  }
0x3c: {  	[sflag:s9] =	ssyncset.done $0x0  }
0x3d: {  	[sflag:s9] =	ssyncadd.s32 $0xFFFFFD80  }
0x3e: {  	[tilespmem:s10], [sflag:$0x1] =	stream.linear.gather [hbm4b:s5+s3], $0x9C80, $0x38;
	[tilespmem:$0xA580] =	vst v63  }
0x3f: {  	_ =	swait.ge [sflag:s9], $0x9C80  }
0x40: {  	[sflag:s9] =	ssyncset.done $0x0  }
0x41: {  	[sflag:s9] =	ssyncadd.s32 $0xFFFF6380  }
0x42: {  	s16 =	simm.s32 $0x280;
	[bflag:$0x0] =	sbarrier.arrive $0xFFFF  }
0x43: {  	[spmem:s2] =	stream.indirect.scatter.add.f32 [tilespmem:s12], [sflag:$0x1], $0x1, s16, s11, $0xb8;
	[tilespmem:$0xA580] =	vst v63  }
0x44: {  	s16 =	simm.s32 $0x200;
	_ =	swait.ge [sflag:s9], $0x40  }
.LBB2_2:
0x45: {  	s17 =	sshra.s32 s16, $0x2;
	[sflag:s9] =	ssyncset.done $0x0;
	p0 =	sne.s32 s16, $0x27000  }
.Ltmp0:
0x46: {  	s17 =	sadd.s32 $0x280, s17;
	[sflag:s9] =	ssyncadd.s32 $0xFFFFFFC0;
	(pc) =	sbr.rel @p0 .LBB2_2-.Ltmp0, $3  }
0x47: {  	[spmem:s2] =	stream.indirect.scatter.add.f32 [tilespmem:s12], [sflag:$0x1], $0x1, s17, s11, $0xb8;
	[tilespmem:$0xA580] =	vst v63  }
0x48: {  	s16 =	sadd.s32 $0x200, s16;
	_ =	sdelay $0x1  }
0x49: {  	_ =	swait.ge [sflag:s9], $0x40  }
0x4a: {  	[sflag:s9] =	ssyncset.done $0x0;
	s15 =	sadd.s32 $0x1, s15  }
0x4b: {  	[sflag:s9] =	ssyncadd.s32 $0xFFFFFFC0;
	p0 =	sne.s32 s15, s7  }
.Ltmp1:
0x4c: {  	[bflag:$0x0] =	sbarrier.arrive $0xFFFF;
	(pc) =	sbr.rel @p0 .LBB2_1-.Ltmp1, $4  }
0x4d: {  	[hbm:s6], [sflag:s13] =	dma.local [spmem:s14], $0x50  }
0x4e: {  	_ =	swait.ge [sflag:s9], $0x50  }
0x4f: {  	[sflag:s9] =	ssyncset.done $0x0  }
0x50: {  	[sflag:s9] =	ssyncadd.s32 $0xFFFFFFB0  }
0x51: {  	_ =	sfence.sel $0x180000  }
0x52: {  	[bflag:$0x0] =	sbarrier.arrive $0xFFFF  }
0x53: {  	p0 =	sne.s32 s0, $0x0;
	_ =	strace $0x90000047  }
0x54: {  	s0 =	sadd.s32 @!p0 $0x100000, s1;
	[bflag:$0x2] =	sbarrier.arrive $0xFFFF  }
0x55: {  	[sflag:s0] =	ssyncadd.tile.s32 @!p0 $0x1;
	_ =	shalt  }
.Lfunc_end2:
_tile_overlayer_lowered:
.L_overlay_start_2:
0x56: {  	(tag) =	ssettag $0x2  }
0x57: {  	s0 =	rddreg [dreg:$0x0];
	s2 =	stileid.u32  }
0x58: {  	s1 =	rddreg [dreg:$0x1];
	p0 =	sne.s32 s2, $0x0  }
0x59: {  	s3 =	rddreg [dreg:$0x2];
	[bflag:$0x3] =	sbarrier.arrive $0xFFFF;
	s2 =	simm.s32 @!p0 $0x1C01  }
0x5a: {  	[timem:s3], [sflag:s2] =	dma.local @!p0 [hbm:s0], s1  }
0x5b: {  	s0 =	simm.s32 @!p0 $0x1  }
0x5c: {  	_ =	swait.ge @!p0 [sflag:s0], s1  }
0x5d: {  	s1 =	ssub.s32 @!p0 $0x0, s1;
	[sflag:s0] =	ssyncset.done @!p0 $0x0  }
0x5e: {  	[sflag:s0] =	ssyncadd.s32 @!p0 s1  }
0x5f: {  	[bflag:$0x3] =	sbarrier.arrive $0xFFFF  }
0x60: {  	_ =	shalt  }

</sc_bundles>
